<compile_context>
chip_gen: v7x
topology: tpu7x:2x2x1
jax: 0.10.2.dev20260603
libtpu: 0.0.44.dev20260713+nightly
codegen_flags: <defaults>
</compile_context>

<pallas_src>
import math

import jax
import jax.numpy as jnp
from jax import lax
from jax.experimental import pallas as pl
from jax.experimental.pallas import tpu as pltpu
from jax.experimental.pallas import tpu_sc as plsc

NUM_BINS = 64
KERNEL_SIGMA = 1.0
KR = math.ceil(2 * KERNEL_SIGMA)
NBP = NUM_BINS + 2 * KR
JSZ = NBP * NBP
JPAD = 4736
EPS = 1e-08

NC = 2
NS = 16
L = 16

INF = float("inf")


def _sc_hist(s, t, B, N):
    assert B == NC
    CHUNK = N // NS
    VPB = CHUNK // L

    mesh = plsc.VectorSubcoreMesh(core_axis_name="c", subcore_axis_name="s")

    def body(s_hbm, t_hbm, *rest):
        jp_hbms = rest[:B]
        s_v, t_v, jp_v, pub_v, all_v, shared = rest[B:]
        cid = lax.axis_index("c")
        sid = lax.axis_index("s")

        base = cid * N + sid * CHUNK
        pltpu.sync_copy(s_hbm.at[pl.ds(base, CHUNK)], s_v)
        pltpu.sync_copy(t_hbm.at[pl.ds(base, CHUNK)], t_v)

        def mbody(i, carry):
            smn, smx, tmn, tmx = carry
            xs = s_v[pl.ds(i * L, L)]
            xt = t_v[pl.ds(i * L, L)]
            return (jnp.minimum(smn, xs), jnp.maximum(smx, xs),
                    jnp.minimum(tmn, xt), jnp.maximum(tmx, xt))

        ival = (jnp.full((L,), INF), jnp.full((L,), -INF),
                jnp.full((L,), INF), jnp.full((L,), -INF))
        smn, smx, tmn, tmx = lax.fori_loop(0, VPB, mbody, ival)

        lane = jax.lax.broadcasted_iota(jnp.int32, (L,), 0)
        pub = jnp.where(
            lane == 0, jnp.min(smn),
            jnp.where(lane == 1, -jnp.max(smx),
                      jnp.where(lane == 2, jnp.min(tmn),
                                jnp.where(lane == 3, -jnp.max(tmx), INF))))
        pub_v[...] = pub
        pltpu.sync_copy(pub_v, shared.at[cid, sid])
        plsc.subcore_barrier()
        pltpu.sync_copy(shared.at[cid], all_v)

        m = all_v[0, pl.ds(0, L)]
        for r in range(1, NS):
            m = jnp.minimum(m, all_v[r, pl.ds(0, L)])
        zvec = jnp.zeros((L,), jnp.float32)
        s_min = zvec + jnp.min(jnp.where(lane == 0, m, INF))
        s_max = zvec - jnp.min(jnp.where(lane == 1, m, INF))
        t_min = zvec + jnp.min(jnp.where(lane == 2, m, INF))
        t_max = zvec - jnp.min(jnp.where(lane == 3, m, INF))

        s_bw = (s_max - s_min) / NUM_BINS
        s_pmin = s_min - s_bw * KR
        s_inv = 1.0 / s_bw
        t_bw = (t_max - t_min) / NUM_BINS
        t_pmin = t_min - t_bw * KR
        t_inv = 1.0 / t_bw

        zero = jnp.zeros((L,), jnp.float32)

        def zbody(i, c):
            jp_v[pl.ds(i * L, L)] = zero
            return c

        lax.fori_loop(0, JPAD // L, zbody, 0)

        @plsc.parallel_loop(0, VPB, unroll=8)
        def vbody(i):
            xs = s_v[pl.ds(i * L, L)]
            xt = t_v[pl.ds(i * L, L)]
            bps = (xs - s_pmin) * s_inv
            bpt = (xt - t_pmin) * t_inv
            bis = jnp.clip(bps.astype(jnp.int32), KR, KR + NUM_BINS - 1)
            bit = jnp.clip(bpt.astype(jnp.int32), KR, KR + NUM_BINS - 1)
            us = bps - bis.astype(jnp.float32)
            ut = bpt - bit.astype(jnp.float32)

            def taps(u):
                v = 1.0 - u
                u2 = u * u
                u3 = u2 * u
                v2 = v * v
                v3 = v2 * v
                c23 = 2.0 / 3.0
                return (v3 * (1.0 / 6.0),
                        0.5 * u3 - u2 + c23,
                        0.5 * v3 - v2 + c23,
                        u3 * (1.0 / 6.0))

            ws = taps(us)
            wt = taps(ut)
            rowbase = bis * NBP + bit - (NBP + 1)
            for r in range(2 * KR):
                for cc in range(2 * KR):
                    plsc.addupdate_scatter(
                        jp_v, [rowbase + (r * NBP + cc)], ws[r] * wt[cc])

        for b in range(B):
            @pl.when(cid == b)
            def _(b=b):
                pltpu.sync_copy(jp_v,
                                jp_hbms[b].at[pl.ds(sid * JPAD, JPAD)])

    f = pl.kernel(
        body,
        out_type=tuple(
            jax.ShapeDtypeStruct((NS * JPAD,), jnp.float32) for _ in range(B)
        ),
        mesh=mesh,
        compiler_params=pltpu.CompilerParams(needs_layout_passes=False),
        scratch_types=[
            pltpu.VMEM((CHUNK,), jnp.float32),
            pltpu.VMEM((CHUNK,), jnp.float32),
            pltpu.VMEM((JPAD,), jnp.float32),
            pltpu.VMEM((L,), jnp.float32),
            pltpu.VMEM((NS, L), jnp.float32),
            pltpu.VMEM_SHARED((NC, NS, L), jnp.float32),
        ],
    )
    return f(s, t)


def _finalize_tc(jps):
    B = len(jps)

    def body(*refs):
        jp_refs = refs[:B]
        sd_ref, td_ref, jd_ref = refs[B:]
        kk = jax.lax.broadcasted_iota(jnp.int32, (JPAD, 128), 0)
        ii = jax.lax.broadcasted_iota(jnp.int32, (JPAD, 128), 1)
        rmat = ((kk // NBP) == ii).astype(jnp.float32)
        cmat = ((kk % NBP) == ii).astype(jnp.float32)
        for b in range(B):
            acc = jp_refs[b][pl.ds(0, JPAD)]
            for w in range(1, NS):
                acc = acc + jp_refs[b][pl.ds(w * JPAD, JPAD)]
            js = acc[None, :]
            sh = jnp.dot(js, rmat, preferred_element_type=jnp.float32)
            th = jnp.dot(js, cmat, preferred_element_type=jnp.float32)
            sd_ref[b] = (sh / jnp.maximum(
                jnp.sum(sh, axis=-1, keepdims=True), EPS))[0, :NBP]
            td_ref[b] = (th / jnp.maximum(
                jnp.sum(th, axis=-1, keepdims=True), EPS))[0, :NBP]
            jtot = jnp.sum(js, axis=-1, keepdims=True)
            jd_ref[b] = (js / jnp.maximum(jtot, EPS))[0, :JSZ]

    return pl.pallas_call(
        body,
        out_shape=(
            jax.ShapeDtypeStruct((B, NBP), jnp.float32),
            jax.ShapeDtypeStruct((B, NBP), jnp.float32),
            jax.ShapeDtypeStruct((B, JSZ), jnp.float32),
        ),
    )(*jps)


def kernel(source, target):
    B = source.shape[0]
    perm = (0, 1, 2, 4, 3)
    s = source.transpose(perm).reshape(-1).astype(jnp.float32)
    t = target.transpose(perm).reshape(-1).astype(jnp.float32)
    N = s.shape[0] // B
    jps = _sc_hist(s, t, B, N)
    sd, td, jd = _finalize_tc(jps)
    return sd, td, jd.reshape(B, NBP, NBP)

# --- scband reference (transcript-rebuilt; emitter-appended) ---
"""Pipeline reference for scband-mi-9096740733041 (READ-ONLY COPY).

The authoritative reference and input builder live on the scoring server;
editing this copy changes nothing except your own understanding.
"""

import jax, jax.numpy as jnp
import numpy as np
import math

NUM_BINS = 64
KERNEL_SIGMA = 1.0
KR = math.ceil(2 * KERNEL_SIGMA)  # kernel radius = 2
EPS = 1e-08


def _bspline_kernel(d):
    d = d / KERNEL_SIGMA
    ad = jnp.abs(d)
    return jnp.where(
        ad < 1.0,
        (3.0 * ad ** 3 - 6.0 * ad ** 2 + 4.0) / 6.0,
        jnp.where(ad < 2.0, (2.0 - ad) ** 3 / 6.0, jnp.zeros_like(d)),
    )


def setup_inputs(seed: int = 0) -> dict:
    key = jax.random.key(seed)
    k1, k2 = jax.random.split(key)
    source = jax.random.normal(k1, (2, 1, 64, 64, 48), dtype=jnp.float32)
    target = jax.random.normal(k2, (2, 1, 64, 64, 48), dtype=jnp.float32)
    return {"source": source, "target": target}


def _bin_weights(x, pad_min_v, bin_width, bin_center, num_bins):
    # x: [B, N]
    bin_pos = (x - pad_min_v[:, None]) / bin_width[:, None]  # [B, N]
    bin_idx = jax.lax.stop_gradient(
        jnp.clip(jnp.floor(bin_pos), KR, KR + num_bins - 1)
    )
    min_win_idx = (bin_idx - KR + 1).astype(jnp.int32)  # [B, N]
    win_idx = jnp.stack([min_win_idx + r for r in range(KR * 2)], axis=1)  # [B, 2R, N]
    win_bin_center = bin_center[win_idx]  # gather, [B, 2R, N]
    win_weight = _bspline_kernel(bin_pos[:, None, :] - win_bin_center)  # [B, 2R, N]
    # scatter window weights into padded bins, exactly as in the torch loop
    bin_weight = jnp.stack(
        [
            jnp.sum((win_idx == idx).astype(win_weight.dtype) * win_weight, axis=1)
            for idx in range(num_bins + KR * 2)
        ],
        axis=1,
    )  # [B, num_bins + 2R, N]
    return bin_weight


def _forward(source, target):
    num_bins = NUM_BINS
    B = source.shape[0]
    # mask=None, bk_threshold=-inf, sample_rate=1 -> every voxel is selected,
    # so masked_select/sampling reduce to a flatten with static shapes.
    s = source.reshape(B, -1)
    t = target.reshape(B, -1)
    s_max = jax.lax.stop_gradient(jnp.max(s, axis=1))
    s_min = jax.lax.stop_gradient(jnp.min(s, axis=1))
    t_max = jax.lax.stop_gradient(jnp.max(t, axis=1))
    t_min = jax.lax.stop_gradient(jnp.min(t, axis=1))
    s_bw = (s_max - s_min) / num_bins
    s_pad_min = s_min - s_bw * KR
    t_bw = (t_max - t_min) / num_bins
    t_pad_min = t_min - t_bw * KR
    bin_center = jnp.arange(num_bins + 2 * KR, dtype=source.dtype)
    s_bin_weight = _bin_weights(s, s_pad_min, s_bw, bin_center, num_bins)
    t_bin_weight = _bin_weights(t, t_pad_min, t_bw, bin_center, num_bins)
    s_hist = s_bin_weight.sum(-1)  # [B, 68]
    t_hist = t_bin_weight.sum(-1)  # [B, 68]
    joint_hist = jnp.einsum('bin,bjn->bij', s_bin_weight, t_bin_weight)  # [B, 68, 68]
    s_density = s_hist / jnp.maximum(s_hist.sum(axis=-1, keepdims=True), EPS)
    t_density = t_hist / jnp.maximum(t_hist.sum(axis=-1, keepdims=True), EPS)
    j_density = joint_hist / jnp.maximum(
        joint_hist.sum(axis=(1, 2), keepdims=True), EPS
    )
    return s_density, t_density, j_density


def reference(source, target):
    return _forward(source, target)

if __name__ == "__main__":
    import jax
    _d = setup_inputs()
    print(jax.jit(kernel)(*tuple(_d.values())))

</pallas_src>

<mosaic_0001>
#map = affine_map<(d0, d1) -> (0)>
module attributes {stable_mosaic.version = 14 : i64} {
  func.func @body(%arg0: i32, %arg1: i32, %arg2: memref<393216xf32, #tpu.memory_space<hbm>>, %arg3: memref<393216xf32, #tpu.memory_space<hbm>>, %arg4: memref<75776xf32, #tpu.memory_space<hbm>>, %arg5: memref<75776xf32, #tpu.memory_space<hbm>>, %arg6: memref<12288xf32, #tpu.memory_space<vmem>>, %arg7: memref<12288xf32, #tpu.memory_space<vmem>>, %arg8: memref<4736xf32, #tpu.memory_space<vmem>>, %arg9: memref<16xf32, #tpu.memory_space<vmem>>, %arg10: memref<16x16xf32, #tpu.memory_space<vmem>>, %arg11: memref<2x16x16xf32, #tpu.memory_space<vmem_shared>>) attributes {dimension_semantics = [#tpu.dimension_semantics<core_parallel>, #tpu.dimension_semantics<subcore_parallel>], iteration_bounds = array<i64: 2, 16>, scalar_prefetch = 0 : i64, scratch_operands = 6 : i64, tpu.core_type = #tpu.core_type<sc_vector_subcore>, window_params = [{transform_indices = #map}, {transform_indices = #map}, {transform_indices = #map}, {transform_indices = #map}]} {
    %mul3A = arith.constant 196608 : i32
    %mul3A_0 = arith.muli %arg0, %mul3A : i32
    %mul3A_1 = arith.constant 12288 : i32
    %mul3A_2 = arith.muli %arg1, %mul3A_1 : i32
    %add3A = arith.addi %mul3A_0, %mul3A_2 : i32
    "tpu.region"() ({
      %run_scoped3A = tpu.sem_alloc : memref<!tpu.dma_semaphore, #tpu.memory_space<semaphore_mem>>
      %dma_start3A = tpu.memref_slice %arg2[%add3A] : memref<393216xf32, #tpu.memory_space<hbm>> -> memref<12288xf32, #tpu.memory_space<hbm>>
      %dma_start3A_217 = tpu.memref_slice %arg2[%add3A] : memref<393216xf32, #tpu.memory_space<hbm>> -> memref<12288xf32, #tpu.memory_space<hbm>>
      tpu.enqueue_dma source(%dma_start3A_217 : memref<12288xf32, #tpu.memory_space<hbm>>) target(%arg6 : memref<12288xf32, #tpu.memory_space<vmem>>) target_semaphore(%run_scoped3A : memref<!tpu.dma_semaphore, #tpu.memory_space<semaphore_mem>>)
      %dma_wait3A = tpu.memref_slice %arg2[%add3A] : memref<393216xf32, #tpu.memory_space<hbm>> -> memref<12288xf32, #tpu.memory_space<hbm>>
      %dma_wait3A_218 = tpu.memref_slice %arg2[%add3A] : memref<393216xf32, #tpu.memory_space<hbm>> -> memref<12288xf32, #tpu.memory_space<hbm>>
      tpu.wait_dma2 semaphore(%run_scoped3A : memref<!tpu.dma_semaphore, #tpu.memory_space<semaphore_mem>>) src(%dma_wait3A_218 : memref<12288xf32, #tpu.memory_space<hbm>>) dst(%arg6 : memref<12288xf32, #tpu.memory_space<vmem>>)
      tpu.yield
    }) : () -> ()
    "tpu.region"() ({
      %run_scoped3A = tpu.sem_alloc : memref<!tpu.dma_semaphore, #tpu.memory_space<semaphore_mem>>
      %dma_start3A = tpu.memref_slice %arg3[%add3A] : memref<393216xf32, #tpu.memory_space<hbm>> -> memref<12288xf32, #tpu.memory_space<hbm>>
      %dma_start3A_217 = tpu.memref_slice %arg3[%add3A] : memref<393216xf32, #tpu.memory_space<hbm>> -> memref<12288xf32, #tpu.memory_space<hbm>>
      tpu.enqueue_dma source(%dma_start3A_217 : memref<12288xf32, #tpu.memory_space<hbm>>) target(%arg7 : memref<12288xf32, #tpu.memory_space<vmem>>) target_semaphore(%run_scoped3A : memref<!tpu.dma_semaphore, #tpu.memory_space<semaphore_mem>>)
      %dma_wait3A = tpu.memref_slice %arg3[%add3A] : memref<393216xf32, #tpu.memory_space<hbm>> -> memref<12288xf32, #tpu.memory_space<hbm>>
      %dma_wait3A_218 = tpu.memref_slice %arg3[%add3A] : memref<393216xf32, #tpu.memory_space<hbm>> -> memref<12288xf32, #tpu.memory_space<hbm>>
      tpu.wait_dma2 semaphore(%run_scoped3A : memref<!tpu.dma_semaphore, #tpu.memory_space<semaphore_mem>>) src(%dma_wait3A_218 : memref<12288xf32, #tpu.memory_space<hbm>>) dst(%arg7 : memref<12288xf32, #tpu.memory_space<vmem>>)
      tpu.yield
    }) : () -> ()
    %broadcast_in_dim3A = arith.constant 0x7F800000 : f32
    %broadcast_in_dim3A_3 = vector.broadcast %broadcast_in_dim3A : f32 to vector<16xf32>
    %broadcast_in_dim3A_4 = arith.constant 0xFF800000 : f32
    %broadcast_in_dim3A_5 = vector.broadcast %broadcast_in_dim3A_4 : f32 to vector<16xf32>
    %broadcast_in_dim3A_6 = arith.constant 0x7F800000 : f32
    %broadcast_in_dim3A_7 = vector.broadcast %broadcast_in_dim3A_6 : f32 to vector<16xf32>
    %broadcast_in_dim3A_8 = arith.constant 0xFF800000 : f32
    %broadcast_in_dim3A_9 = vector.broadcast %broadcast_in_dim3A_8 : f32 to vector<16xf32>
    %scan3A = arith.constant 0 : i32
    %scan3A_10 = arith.constant 768 : i32
    %scan3A_11 = arith.addi %scan3A, %scan3A_10 : i32
    %scan3A_12 = arith.constant 1 : i32
    %scan3A_13:4 = scf.for %scan3A_217 = %scan3A to %scan3A_11 step %scan3A_12 iter_args(%scan3A_218 = %broadcast_in_dim3A_3, %scan3A_219 = %broadcast_in_dim3A_5, %scan3A_220 = %broadcast_in_dim3A_7, %scan3A_221 = %broadcast_in_dim3A_9) -> (vector<16xf32>, vector<16xf32>, vector<16xf32>, vector<16xf32>)  : i32 {
      %mul3A_222 = arith.constant 16 : i32
      %mul3A_223 = arith.muli %scan3A_217, %mul3A_222 : i32
      %get3A_224 = arith.index_cast %mul3A_223 : i32 to index
      %get3A_225 = tpu.vector_load %arg6[%get3A_224] {strides = array<i32>} : memref<12288xf32, #tpu.memory_space<vmem>>, vector<16xf32>,
      %mul3A_226 = arith.constant 16 : i32
      %mul3A_227 = arith.muli %scan3A_217, %mul3A_226 : i32
      %get3A_228 = arith.index_cast %mul3A_227 : i32 to index
      %get3A_229 = tpu.vector_load %arg7[%get3A_228] {strides = array<i32>} : memref<12288xf32, #tpu.memory_space<vmem>>, vector<16xf32>,
      %min3A_230 = arith.minimumf %scan3A_218, %get3A_225 : vector<16xf32>
      %max3A = arith.maximumf %scan3A_219, %get3A_225 : vector<16xf32>
      %min3A_231 = arith.minimumf %scan3A_220, %get3A_229 : vector<16xf32>
      %max3A_232 = arith.maximumf %scan3A_221, %get3A_229 : vector<16xf32>
      scf.yield %min3A_230, %max3A, %min3A_231, %max3A_232 : vector<16xf32>, vector<16xf32>, vector<16xf32>, vector<16xf32>
    }
    %scan3A_14 = arith.constant 768 : i32
    %iota3A = tpu.iota {dimensions = array<i32: 0>} : vector<16xi32>
    %eq3A = arith.constant 0 : i32
    %eq3A_15 = vector.broadcast %eq3A : i32 to vector<16xi32>
    %eq3A_16 = arith.cmpi eq, %iota3A, %eq3A_15 : vector<16xi32>
    %reduce_min3A = arith.constant true
    %reduce_min3A_17 = vector.broadcast %reduce_min3A : i1 to vector<16xi1>
    %reduce_min3A_18 = tpu.scan <min>, %scan3A_13#0 masked %reduce_min3A_17 : vector<16xf32>, vector<16xi1> -> vector<16xf32>
    %reduce_min3A_19 = vector.extract %reduce_min3A_18[15] : f32 from vector<16xf32>
    %eq3A_20 = arith.constant 1 : i32
    %eq3A_21 = vector.broadcast %eq3A_20 : i32 to vector<16xi32>
    %eq3A_22 = arith.cmpi eq, %iota3A, %eq3A_21 : vector<16xi32>
    %reduce_max3A = arith.constant true
    %reduce_max3A_23 = vector.broadcast %reduce_max3A : i1 to vector<16xi1>
    %reduce_max3A_24 = tpu.scan <max>, %scan3A_13#1 masked %reduce_max3A_23 : vector<16xf32>, vector<16xi1> -> vector<16xf32>
    %reduce_max3A_25 = vector.extract %reduce_max3A_24[15] : f32 from vector<16xf32>
    %neg3A = arith.constant 0.000000e+00 : f32
    %neg3A_26 = arith.subf %neg3A, %reduce_max3A_25 : f32
    %eq3A_27 = arith.constant 2 : i32
    %eq3A_28 = vector.broadcast %eq3A_27 : i32 to vector<16xi32>
    %eq3A_29 = arith.cmpi eq, %iota3A, %eq3A_28 : vector<16xi32>
    %reduce_min3A_30 = arith.constant true
    %reduce_min3A_31 = vector.broadcast %reduce_min3A_30 : i1 to vector<16xi1>
    %reduce_min3A_32 = tpu.scan <min>, %scan3A_13#2 masked %reduce_min3A_31 : vector<16xf32>, vector<16xi1> -> vector<16xf32>
    %reduce_min3A_33 = vector.extract %reduce_min3A_32[15] : f32 from vector<16xf32>
    %eq3A_34 = arith.constant 3 : i32
    %eq3A_35 = vector.broadcast %eq3A_34 : i32 to vector<16xi32>
    %eq3A_36 = arith.cmpi eq, %iota3A, %eq3A_35 : vector<16xi32>
    %reduce_max3A_37 = arith.constant true
    %reduce_max3A_38 = vector.broadcast %reduce_max3A_37 : i1 to vector<16xi1>
    %reduce_max3A_39 = tpu.scan <max>, %scan3A_13#3 masked %reduce_max3A_38 : vector<16xf32>, vector<16xi1> -> vector<16xf32>
    %reduce_max3A_40 = vector.extract %reduce_max3A_39[15] : f32 from vector<16xf32>
    %neg3A_41 = arith.constant 0.000000e+00 : f32
    %neg3A_42 = arith.subf %neg3A_41, %reduce_max3A_40 : f32
    %jit3A = arith.constant 0x7F800000 : f32
    %broadcast_in_dim3A_43 = vector.broadcast %neg3A_42 : f32 to vector<16xf32>
    %broadcast_in_dim3A_44 = vector.broadcast %jit3A : f32 to vector<16xf32>
    %select_n3A = arith.select %eq3A_36, %broadcast_in_dim3A_43, %broadcast_in_dim3A_44 : vector<16xi1>, vector<16xf32>
    %broadcast_in_dim3A_45 = vector.broadcast %reduce_min3A_33 : f32 to vector<16xf32>
    %select_n3A_46 = arith.select %eq3A_29, %broadcast_in_dim3A_45, %select_n3A : vector<16xi1>, vector<16xf32>
    %broadcast_in_dim3A_47 = vector.broadcast %neg3A_26 : f32 to vector<16xf32>
    %select_n3A_48 = arith.select %eq3A_22, %broadcast_in_dim3A_47, %select_n3A_46 : vector<16xi1>, vector<16xf32>
    %broadcast_in_dim3A_49 = vector.broadcast %reduce_min3A_19 : f32 to vector<16xf32>
    %select_n3A_50 = arith.select %eq3A_16, %broadcast_in_dim3A_49, %select_n3A_48 : vector<16xi1>, vector<16xf32>
    %swap3A = arith.constant 0 : index
    %swap3A_51 = tpu.vector_load %arg9[%swap3A] {strides = array<i32>} : memref<16xf32, #tpu.memory_space<vmem>>, vector<16xf32>,
    tpu.vector_store %arg9[%swap3A], %select_n3A_50 {strides = array<i32>} : memref<16xf32, #tpu.memory_space<vmem>>, vector<16xf32>,
    "tpu.region"() ({
      %run_scoped3A = tpu.sem_alloc : memref<!tpu.dma_semaphore, #tpu.memory_space<semaphore_mem>>
      %dma_start3A = arith.constant 0 : i32
      %dma_start3A_217 = tpu.memref_slice %arg11[%arg0, %arg1, %dma_start3A] : memref<2x16x16xf32, #tpu.memory_space<vmem_shared>> -> memref<1x1x16xf32, #tpu.memory_space<vmem_shared>>
      %dma_start3A_218 = tpu.memref_squeeze %dma_start3A_217 : memref<1x1x16xf32, #tpu.memory_space<vmem_shared>> -> memref<16xf32, #tpu.memory_space<vmem_shared>>
      %dma_start3A_219 = arith.constant 0 : i32
      %dma_start3A_220 = tpu.memref_slice %arg11[%arg0, %arg1, %dma_start3A_219] : memref<2x16x16xf32, #tpu.memory_space<vmem_shared>> -> memref<1x1x16xf32, #tpu.memory_space<vmem_shared>>
      %dma_start3A_221 = tpu.memref_squeeze %dma_start3A_220 : memref<1x1x16xf32, #tpu.memory_space<vmem_shared>> -> memref<16xf32, #tpu.memory_space<vmem_shared>>
      tpu.enqueue_dma source(%arg9 : memref<16xf32, #tpu.memory_space<vmem>>) target(%dma_start3A_221 : memref<16xf32, #tpu.memory_space<vmem_shared>>) target_semaphore(%run_scoped3A : memref<!tpu.dma_semaphore, #tpu.memory_space<semaphore_mem>>)
      %dma_wait3A = arith.constant 0 : i32
      %dma_wait3A_222 = tpu.memref_slice %arg11[%arg0, %arg1, %dma_wait3A] : memref<2x16x16xf32, #tpu.memory_space<vmem_shared>> -> memref<1x1x16xf32, #tpu.memory_space<vmem_shared>>
      %dma_wait3A_223 = tpu.memref_squeeze %dma_wait3A_222 : memref<1x1x16xf32, #tpu.memory_space<vmem_shared>> -> memref<16xf32, #tpu.memory_space<vmem_shared>>
      %dma_wait3A_224 = arith.constant 0 : i32
      %dma_wait3A_225 = tpu.memref_slice %arg11[%arg0, %arg1, %dma_wait3A_224] : memref<2x16x16xf32, #tpu.memory_space<vmem_shared>> -> memref<1x1x16xf32, #tpu.memory_space<vmem_shared>>
      %dma_wait3A_226 = tpu.memref_squeeze %dma_wait3A_225 : memref<1x1x16xf32, #tpu.memory_space<vmem_shared>> -> memref<16xf32, #tpu.memory_space<vmem_shared>>
      tpu.wait_dma2 semaphore(%run_scoped3A : memref<!tpu.dma_semaphore, #tpu.memory_space<semaphore_mem>>) src(%arg9 : memref<16xf32, #tpu.memory_space<vmem>>) dst(%dma_wait3A_226 : memref<16xf32, #tpu.memory_space<vmem_shared>>)
      tpu.yield
    }) : () -> ()
    %barrier3A = arith.constant 0 : index
    tpu.barrier barrier_id(%barrier3A)
    "tpu.region"() ({
      %run_scoped3A = tpu.sem_alloc : memref<!tpu.dma_semaphore, #tpu.memory_space<semaphore_mem>>
      %dma_start3A = arith.constant 0 : i32
      %dma_start3A_217 = arith.constant 0 : i32
      %dma_start3A_218 = tpu.memref_slice %arg11[%arg0, %dma_start3A, %dma_start3A_217] : memref<2x16x16xf32, #tpu.memory_space<vmem_shared>> -> memref<1x16x16xf32, #tpu.memory_space<vmem_shared>>
      %dma_start3A_219 = tpu.memref_squeeze %dma_start3A_218 : memref<1x16x16xf32, #tpu.memory_space<vmem_shared>> -> memref<16x16xf32, #tpu.memory_space<vmem_shared>>
      %dma_start3A_220 = arith.constant 0 : i32
      %dma_start3A_221 = arith.constant 0 : i32
      %dma_start3A_222 = tpu.memref_slice %arg11[%arg0, %dma_start3A_220, %dma_start3A_221] : memref<2x16x16xf32, #tpu.memory_space<vmem_shared>> -> memref<1x16x16xf32, #tpu.memory_space<vmem_shared>>
      %dma_start3A_223 = tpu.memref_squeeze %dma_start3A_222 : memref<1x16x16xf32, #tpu.memory_space<vmem_shared>> -> memref<16x16xf32, #tpu.memory_space<vmem_shared>>
      tpu.enqueue_dma source(%dma_start3A_223 : memref<16x16xf32, #tpu.memory_space<vmem_shared>>) target(%arg10 : memref<16x16xf32, #tpu.memory_space<vmem>>) target_semaphore(%run_scoped3A : memref<!tpu.dma_semaphore, #tpu.memory_space<semaphore_mem>>)
      %dma_wait3A = arith.constant 0 : i32
      %dma_wait3A_224 = arith.constant 0 : i32
      %dma_wait3A_225 = tpu.memref_slice %arg11[%arg0, %dma_wait3A, %dma_wait3A_224] : memref<2x16x16xf32, #tpu.memory_space<vmem_shared>> -> memref<1x16x16xf32, #tpu.memory_space<vmem_shared>>
      %dma_wait3A_226 = tpu.memref_squeeze %dma_wait3A_225 : memref<1x16x16xf32, #tpu.memory_space<vmem_shared>> -> memref<16x16xf32, #tpu.memory_space<vmem_shared>>
      %dma_wait3A_227 = arith.constant 0 : i32
      %dma_wait3A_228 = arith.constant 0 : i32
      %dma_wait3A_229 = tpu.memref_slice %arg11[%arg0, %dma_wait3A_227, %dma_wait3A_228] : memref<2x16x16xf32, #tpu.memory_space<vmem_shared>> -> memref<1x16x16xf32, #tpu.memory_space<vmem_shared>>
      %dma_wait3A_230 = tpu.memref_squeeze %dma_wait3A_229 : memref<1x16x16xf32, #tpu.memory_space<vmem_shared>> -> memref<16x16xf32, #tpu.memory_space<vmem_shared>>
      tpu.wait_dma2 semaphore(%run_scoped3A : memref<!tpu.dma_semaphore, #tpu.memory_space<semaphore_mem>>) src(%dma_wait3A_230 : memref<16x16xf32, #tpu.memory_space<vmem_shared>>) dst(%arg10 : memref<16x16xf32, #tpu.memory_space<vmem>>)
      tpu.yield
    }) : () -> ()
    %get3A = arith.constant 0 : i32
    %get3A_52 = arith.index_cast %get3A : i32 to index
    %get3A_53 = arith.constant 0 : index
    %get3A_54 = tpu.vector_load %arg10[%get3A_52, %get3A_53] {strides = array<i32>} : memref<16x16xf32, #tpu.memory_space<vmem>>, vector<16xf32>,
    %get3A_55 = arith.constant 1 : i32
    %get3A_56 = arith.index_cast %get3A_55 : i32 to index
    %get3A_57 = arith.constant 0 : index
    %get3A_58 = tpu.vector_load %arg10[%get3A_56, %get3A_57] {strides = array<i32>} : memref<16x16xf32, #tpu.memory_space<vmem>>, vector<16xf32>,
    %min3A = arith.minimumf %get3A_54, %get3A_58 : vector<16xf32>
    %get3A_59 = arith.constant 2 : i32
    %get3A_60 = arith.index_cast %get3A_59 : i32 to index
    %get3A_61 = arith.constant 0 : index
    %get3A_62 = tpu.vector_load %arg10[%get3A_60, %get3A_61] {strides = array<i32>} : memref<16x16xf32, #tpu.memory_space<vmem>>, vector<16xf32>,
    %min3A_63 = arith.minimumf %min3A, %get3A_62 : vector<16xf32>
    %get3A_64 = arith.constant 3 : i32
    %get3A_65 = arith.index_cast %get3A_64 : i32 to index
    %get3A_66 = arith.constant 0 : index
    %get3A_67 = tpu.vector_load %arg10[%get3A_65, %get3A_66] {strides = array<i32>} : memref<16x16xf32, #tpu.memory_space<vmem>>, vector<16xf32>,
    %min3A_68 = arith.minimumf %min3A_63, %get3A_67 : vector<16xf32>
    %get3A_69 = arith.constant 4 : i32
    %get3A_70 = arith.index_cast %get3A_69 : i32 to index
    %get3A_71 = arith.constant 0 : index
    %get3A_72 = tpu.vector_load %arg10[%get3A_70, %get3A_71] {strides = array<i32>} : memref<16x16xf32, #tpu.memory_space<vmem>>, vector<16xf32>,
    %min3A_73 = arith.minimumf %min3A_68, %get3A_72 : vector<16xf32>
    %get3A_74 = arith.constant 5 : i32
    %get3A_75 = arith.index_cast %get3A_74 : i32 to index
    %get3A_76 = arith.constant 0 : index
    %get3A_77 = tpu.vector_load %arg10[%get3A_75, %get3A_76] {strides = array<i32>} : memref<16x16xf32, #tpu.memory_space<vmem>>, vector<16xf32>,
    %min3A_78 = arith.minimumf %min3A_73, %get3A_77 : vector<16xf32>
    %get3A_79 = arith.constant 6 : i32
    %get3A_80 = arith.index_cast %get3A_79 : i32 to index
    %get3A_81 = arith.constant 0 : index
    %get3A_82 = tpu.vector_load %arg10[%get3A_80, %get3A_81] {strides = array<i32>} : memref<16x16xf32, #tpu.memory_space<vmem>>, vector<16xf32>,
    %min3A_83 = arith.minimumf %min3A_78, %get3A_82 : vector<16xf32>
    %get3A_84 = arith.constant 7 : i32
    %get3A_85 = arith.index_cast %get3A_84 : i32 to index
    %get3A_86 = arith.constant 0 : index
    %get3A_87 = tpu.vector_load %arg10[%get3A_85, %get3A_86] {strides = array<i32>} : memref<16x16xf32, #tpu.memory_space<vmem>>, vector<16xf32>,
    %min3A_88 = arith.minimumf %min3A_83, %get3A_87 : vector<16xf32>
    %get3A_89 = arith.constant 8 : i32
    %get3A_90 = arith.index_cast %get3A_89 : i32 to index
    %get3A_91 = arith.constant 0 : index
    %get3A_92 = tpu.vector_load %arg10[%get3A_90, %get3A_91] {strides = array<i32>} : memref<16x16xf32, #tpu.memory_space<vmem>>, vector<16xf32>,
    %min3A_93 = arith.minimumf %min3A_88, %get3A_92 : vector<16xf32>
    %get3A_94 = arith.constant 9 : i32
    %get3A_95 = arith.index_cast %get3A_94 : i32 to index
    %get3A_96 = arith.constant 0 : index
    %get3A_97 = tpu.vector_load %arg10[%get3A_95, %get3A_96] {strides = array<i32>} : memref<16x16xf32, #tpu.memory_space<vmem>>, vector<16xf32>,
    %min3A_98 = arith.minimumf %min3A_93, %get3A_97 : vector<16xf32>
    %get3A_99 = arith.constant 10 : i32
    %get3A_100 = arith.index_cast %get3A_99 : i32 to index
    %get3A_101 = arith.constant 0 : index
    %get3A_102 = tpu.vector_load %arg10[%get3A_100, %get3A_101] {strides = array<i32>} : memref<16x16xf32, #tpu.memory_space<vmem>>, vector<16xf32>,
    %min3A_103 = arith.minimumf %min3A_98, %get3A_102 : vector<16xf32>
    %get3A_104 = arith.constant 11 : i32
    %get3A_105 = arith.index_cast %get3A_104 : i32 to index
    %get3A_106 = arith.constant 0 : index
    %get3A_107 = tpu.vector_load %arg10[%get3A_105, %get3A_106] {strides = array<i32>} : memref<16x16xf32, #tpu.memory_space<vmem>>, vector<16xf32>,
    %min3A_108 = arith.minimumf %min3A_103, %get3A_107 : vector<16xf32>
    %get3A_109 = arith.constant 12 : i32
    %get3A_110 = arith.index_cast %get3A_109 : i32 to index
    %get3A_111 = arith.constant 0 : index
    %get3A_112 = tpu.vector_load %arg10[%get3A_110, %get3A_111] {strides = array<i32>} : memref<16x16xf32, #tpu.memory_space<vmem>>, vector<16xf32>,
    %min3A_113 = arith.minimumf %min3A_108, %get3A_112 : vector<16xf32>
    %get3A_114 = arith.constant 13 : i32
    %get3A_115 = arith.index_cast %get3A_114 : i32 to index
    %get3A_116 = arith.constant 0 : index
    %get3A_117 = tpu.vector_load %arg10[%get3A_115, %get3A_116] {strides = array<i32>} : memref<16x16xf32, #tpu.memory_space<vmem>>, vector<16xf32>,
    %min3A_118 = arith.minimumf %min3A_113, %get3A_117 : vector<16xf32>
    %get3A_119 = arith.constant 14 : i32
    %get3A_120 = arith.index_cast %get3A_119 : i32 to index
    %get3A_121 = arith.constant 0 : index
    %get3A_122 = tpu.vector_load %arg10[%get3A_120, %get3A_121] {strides = array<i32>} : memref<16x16xf32, #tpu.memory_space<vmem>>, vector<16xf32>,
    %min3A_123 = arith.minimumf %min3A_118, %get3A_122 : vector<16xf32>
    %get3A_124 = arith.constant 15 : i32
    %get3A_125 = arith.index_cast %get3A_124 : i32 to index
    %get3A_126 = arith.constant 0 : index
    %get3A_127 = tpu.vector_load %arg10[%get3A_125, %get3A_126] {strides = array<i32>} : memref<16x16xf32, #tpu.memory_space<vmem>>, vector<16xf32>,
    %min3A_128 = arith.minimumf %min3A_123, %get3A_127 : vector<16xf32>
    %broadcast_in_dim3A_129 = arith.constant 0.000000e+00 : f32
    %broadcast_in_dim3A_130 = vector.broadcast %broadcast_in_dim3A_129 : f32 to vector<16xf32>
    %eq3A_131 = arith.constant 0 : i32
    %eq3A_132 = vector.broadcast %eq3A_131 : i32 to vector<16xi32>
    %eq3A_133 = arith.cmpi eq, %iota3A, %eq3A_132 : vector<16xi32>
    %jit3A_134 = arith.constant 0x7F800000 : f32
    %broadcast_in_dim3A_135 = vector.broadcast %jit3A_134 : f32 to vector<16xf32>
    %select_n3A_136 = arith.select %eq3A_133, %min3A_128, %broadcast_in_dim3A_135 : vector<16xi1>, vector<16xf32>
    %reduce_min3A_137 = arith.constant true
    %reduce_min3A_138 = vector.broadcast %reduce_min3A_137 : i1 to vector<16xi1>
    %reduce_min3A_139 = tpu.scan <min>, %select_n3A_136 masked %reduce_min3A_138 : vector<16xf32>, vector<16xi1> -> vector<16xf32>
    %reduce_min3A_140 = vector.extract %reduce_min3A_139[15] : f32 from vector<16xf32>
    %add3A_141 = vector.broadcast %reduce_min3A_140 : f32 to vector<16xf32>
    %add3A_142 = arith.addf %broadcast_in_dim3A_130, %add3A_141 : vector<16xf32>
    %eq3A_143 = arith.constant 1 : i32
    %eq3A_144 = vector.broadcast %eq3A_143 : i32 to vector<16xi32>
    %eq3A_145 = arith.cmpi eq, %iota3A, %eq3A_144 : vector<16xi32>
    %jit3A_146 = arith.constant 0x7F800000 : f32
    %broadcast_in_dim3A_147 = vector.broadcast %jit3A_146 : f32 to vector<16xf32>
    %select_n3A_148 = arith.select %eq3A_145, %min3A_128, %broadcast_in_dim3A_147 : vector<16xi1>, vector<16xf32>
    %reduce_min3A_149 = arith.constant true
    %reduce_min3A_150 = vector.broadcast %reduce_min3A_149 : i1 to vector<16xi1>
    %reduce_min3A_151 = tpu.scan <min>, %select_n3A_148 masked %reduce_min3A_150 : vector<16xf32>, vector<16xi1> -> vector<16xf32>
    %reduce_min3A_152 = vector.extract %reduce_min3A_151[15] : f32 from vector<16xf32>
    %sub3A = vector.broadcast %reduce_min3A_152 : f32 to vector<16xf32>
    %sub3A_153 = arith.subf %broadcast_in_dim3A_130, %sub3A : vector<16xf32>
    %eq3A_154 = arith.constant 2 : i32
    %eq3A_155 = vector.broadcast %eq3A_154 : i32 to vector<16xi32>
    %eq3A_156 = arith.cmpi eq, %iota3A, %eq3A_155 : vector<16xi32>
    %jit3A_157 = arith.constant 0x7F800000 : f32
    %broadcast_in_dim3A_158 = vector.broadcast %jit3A_157 : f32 to vector<16xf32>
    %select_n3A_159 = arith.select %eq3A_156, %min3A_128, %broadcast_in_dim3A_158 : vector<16xi1>, vector<16xf32>
    %reduce_min3A_160 = arith.constant true
    %reduce_min3A_161 = vector.broadcast %reduce_min3A_160 : i1 to vector<16xi1>
    %reduce_min3A_162 = tpu.scan <min>, %select_n3A_159 masked %reduce_min3A_161 : vector<16xf32>, vector<16xi1> -> vector<16xf32>
    %reduce_min3A_163 = vector.extract %reduce_min3A_162[15] : f32 from vector<16xf32>
    %add3A_164 = vector.broadcast %reduce_min3A_163 : f32 to vector<16xf32>
    %add3A_165 = arith.addf %broadcast_in_dim3A_130, %add3A_164 : vector<16xf32>
    %eq3A_166 = arith.constant 3 : i32
    %eq3A_167 = vector.broadcast %eq3A_166 : i32 to vector<16xi32>
    %eq3A_168 = arith.cmpi eq, %iota3A, %eq3A_167 : vector<16xi32>
    %jit3A_169 = arith.constant 0x7F800000 : f32
    %broadcast_in_dim3A_170 = vector.broadcast %jit3A_169 : f32 to vector<16xf32>
    %select_n3A_171 = arith.select %eq3A_168, %min3A_128, %broadcast_in_dim3A_170 : vector<16xi1>, vector<16xf32>
    %reduce_min3A_172 = arith.constant true
    %reduce_min3A_173 = vector.broadcast %reduce_min3A_172 : i1 to vector<16xi1>
    %reduce_min3A_174 = tpu.scan <min>, %select_n3A_171 masked %reduce_min3A_173 : vector<16xf32>, vector<16xi1> -> vector<16xf32>
    %reduce_min3A_175 = vector.extract %reduce_min3A_174[15] : f32 from vector<16xf32>
    %sub3A_176 = vector.broadcast %reduce_min3A_175 : f32 to vector<16xf32>
    %sub3A_177 = arith.subf %broadcast_in_dim3A_130, %sub3A_176 : vector<16xf32>
    %sub3A_178 = arith.subf %sub3A_153, %add3A_142 : vector<16xf32>
    %div3A = arith.constant 6.400000e+01 : f32
    %div3A_179 = vector.broadcast %div3A : f32 to vector<16xf32>
    %div3A_180 = arith.divf %sub3A_178, %div3A_179 : vector<16xf32>
    %mul3A_181 = arith.constant 2.000000e+00 : f32
    %mul3A_182 = vector.broadcast %mul3A_181 : f32 to vector<16xf32>
    %mul3A_183 = arith.mulf %div3A_180, %mul3A_182 : vector<16xf32>
    %sub3A_184 = arith.subf %add3A_142, %mul3A_183 : vector<16xf32>
    %div3A_185 = arith.constant 1.000000e+00 : f32
    %div3A_186 = vector.broadcast %div3A_185 : f32 to vector<16xf32>
    %div3A_187 = arith.divf %div3A_186, %div3A_180 : vector<16xf32>
    %sub3A_188 = arith.subf %sub3A_177, %add3A_165 : vector<16xf32>
    %div3A_189 = arith.constant 6.400000e+01 : f32
    %div3A_190 = vector.broadcast %div3A_189 : f32 to vector<16xf32>
    %div3A_191 = arith.divf %sub3A_188, %div3A_190 : vector<16xf32>
    %mul3A_192 = arith.constant 2.000000e+00 : f32
    %mul3A_193 = vector.broadcast %mul3A_192 : f32 to vector<16xf32>
    %mul3A_194 = arith.mulf %div3A_191, %mul3A_193 : vector<16xf32>
    %sub3A_195 = arith.subf %add3A_165, %mul3A_194 : vector<16xf32>
    %div3A_196 = arith.constant 1.000000e+00 : f32
    %div3A_197 = vector.broadcast %div3A_196 : f32 to vector<16xf32>
    %div3A_198 = arith.divf %div3A_197, %div3A_191 : vector<16xf32>
    %broadcast_in_dim3A_199 = arith.constant 0.000000e+00 : f32
    %broadcast_in_dim3A_200 = vector.broadcast %broadcast_in_dim3A_199 : f32 to vector<16xf32>
    %scan3A_201 = arith.constant 0 : i32
    %scan3A_202 = arith.constant 0 : i32
    %scan3A_203 = arith.constant 296 : i32
    %scan3A_204 = arith.addi %scan3A_202, %scan3A_203 : i32
    %scan3A_205 = arith.constant 1 : i32
    scf.for %scan3A_217 = %scan3A_202 to %scan3A_204 step %scan3A_205  : i32 {
      %mul3A_218 = arith.constant 16 : i32
      %mul3A_219 = arith.muli %scan3A_217, %mul3A_218 : i32
      %swap3A_220 = arith.index_cast %mul3A_219 : i32 to index
      %swap3A_221 = tpu.vector_load %arg8[%swap3A_220] {strides = array<i32>} : memref<4736xf32, #tpu.memory_space<vmem>>, vector<16xf32>,
      tpu.vector_store %arg8[%swap3A_220], %broadcast_in_dim3A_200 {strides = array<i32>} : memref<4736xf32, #tpu.memory_space<vmem>>, vector<16xf32>,
    }
    %scan3A_206 = arith.constant 296 : i32
    %parallel_loop3A = arith.constant 0 : i32
    %parallel_loop3A_207 = arith.constant 768 : i32
    %parallel_loop3A_208 = arith.constant 1 : i32
    scf.for %parallel_loop3A_217 = %parallel_loop3A to %parallel_loop3A_207 step %parallel_loop3A_208  : i32 {
      %parallel_loop3A_218 = arith.constant 16 : i32
      %parallel_loop3A_219 = arith.muli %parallel_loop3A_217, %parallel_loop3A_218 : i32
      %parallel_loop3A_220 = arith.index_cast %parallel_loop3A_219 : i32 to index
      %parallel_loop3A_221 = tpu.vector_load %arg6[%parallel_loop3A_220] {strides = array<i32>} : memref<12288xf32, #tpu.memory_space<vmem>>, vector<16xf32>,
      %parallel_loop3A_222 = arith.constant 16 : i32
      %parallel_loop3A_223 = arith.muli %parallel_loop3A_217, %parallel_loop3A_222 : i32
      %parallel_loop3A_224 = arith.index_cast %parallel_loop3A_223 : i32 to index
      %parallel_loop3A_225 = tpu.vector_load %arg7[%parallel_loop3A_224] {strides = array<i32>} : memref<12288xf32, #tpu.memory_space<vmem>>, vector<16xf32>,
      %parallel_loop3A_226 = arith.subf %parallel_loop3A_221, %sub3A_184 : vector<16xf32>
      %parallel_loop3A_227 = arith.mulf %parallel_loop3A_226, %div3A_187 : vector<16xf32>
      %parallel_loop3A_228 = arith.subf %parallel_loop3A_225, %sub3A_195 : vector<16xf32>
      %parallel_loop3A_229 = arith.mulf %parallel_loop3A_228, %div3A_198 : vector<16xf32>
      %parallel_loop3A_230 = arith.fptosi %parallel_loop3A_227 : vector<16xf32> to vector<16xi32>
      %parallel_loop3A_231 = arith.constant 2 : i32
      %parallel_loop3A_232 = arith.constant 65 : i32
      %parallel_loop3A_233 = vector.broadcast %parallel_loop3A_231 : i32 to vector<16xi32>
      %parallel_loop3A_234 = arith.maxsi %parallel_loop3A_233, %parallel_loop3A_230 : vector<16xi32>
      %parallel_loop3A_235 = vector.broadcast %parallel_loop3A_232 : i32 to vector<16xi32>
      %parallel_loop3A_236 = arith.minsi %parallel_loop3A_235, %parallel_loop3A_234 : vector<16xi32>
      %parallel_loop3A_237 = arith.fptosi %parallel_loop3A_229 : vector<16xf32> to vector<16xi32>
      %parallel_loop3A_238 = arith.constant 2 : i32
      %parallel_loop3A_239 = arith.constant 65 : i32
      %parallel_loop3A_240 = vector.broadcast %parallel_loop3A_238 : i32 to vector<16xi32>
      %parallel_loop3A_241 = arith.maxsi %parallel_loop3A_240, %parallel_loop3A_237 : vector<16xi32>
      %parallel_loop3A_242 = vector.broadcast %parallel_loop3A_239 : i32 to vector<16xi32>
      %parallel_loop3A_243 = arith.minsi %parallel_loop3A_242, %parallel_loop3A_241 : vector<16xi32>
      %parallel_loop3A_244 = arith.sitofp %parallel_loop3A_236 : vector<16xi32> to vector<16xf32>
      %parallel_loop3A_245 = arith.subf %parallel_loop3A_227, %parallel_loop3A_244 : vector<16xf32>
      %parallel_loop3A_246 = arith.sitofp %parallel_loop3A_243 : vector<16xi32> to vector<16xf32>
      %parallel_loop3A_247 = arith.subf %parallel_loop3A_229, %parallel_loop3A_246 : vector<16xf32>
      %parallel_loop3A_248 = arith.constant 1.000000e+00 : f32
      %parallel_loop3A_249 = vector.broadcast %parallel_loop3A_248 : f32 to vector<16xf32>
      %parallel_loop3A_250 = arith.subf %parallel_loop3A_249, %parallel_loop3A_245 : vector<16xf32>
      %parallel_loop3A_251 = arith.mulf %parallel_loop3A_245, %parallel_loop3A_245 : vector<16xf32>
      %parallel_loop3A_252 = arith.mulf %parallel_loop3A_251, %parallel_loop3A_245 : vector<16xf32>
      %parallel_loop3A_253 = arith.mulf %parallel_loop3A_250, %parallel_loop3A_250 : vector<16xf32>
      %parallel_loop3A_254 = arith.mulf %parallel_loop3A_253, %parallel_loop3A_250 : vector<16xf32>
      %parallel_loop3A_255 = arith.constant 0.166666672 : f32
      %parallel_loop3A_256 = vector.broadcast %parallel_loop3A_255 : f32 to vector<16xf32>
      %parallel_loop3A_257 = arith.mulf %parallel_loop3A_254, %parallel_loop3A_256 : vector<16xf32>
      %parallel_loop3A_258 = arith.constant 5.000000e-01 : f32
      %parallel_loop3A_259 = vector.broadcast %parallel_loop3A_258 : f32 to vector<16xf32>
      %parallel_loop3A_260 = arith.mulf %parallel_loop3A_259, %parallel_loop3A_252 : vector<16xf32>
      %parallel_loop3A_261 = arith.subf %parallel_loop3A_260, %parallel_loop3A_251 : vector<16xf32>
      %parallel_loop3A_262 = arith.constant 0.666666686 : f32
      %parallel_loop3A_263 = vector.broadcast %parallel_loop3A_262 : f32 to vector<16xf32>
      %parallel_loop3A_264 = arith.addf %parallel_loop3A_261, %parallel_loop3A_263 : vector<16xf32>
      %parallel_loop3A_265 = arith.constant 5.000000e-01 : f32
      %parallel_loop3A_266 = vector.broadcast %parallel_loop3A_265 : f32 to vector<16xf32>
      %parallel_loop3A_267 = arith.mulf %parallel_loop3A_266, %parallel_loop3A_254 : vector<16xf32>
      %parallel_loop3A_268 = arith.subf %parallel_loop3A_267, %parallel_loop3A_253 : vector<16xf32>
      %parallel_loop3A_269 = arith.constant 0.666666686 : f32
      %parallel_loop3A_270 = vector.broadcast %parallel_loop3A_269 : f32 to vector<16xf32>
      %parallel_loop3A_271 = arith.addf %parallel_loop3A_268, %parallel_loop3A_270 : vector<16xf32>
      %parallel_loop3A_272 = arith.constant 0.166666672 : f32
      %parallel_loop3A_273 = vector.broadcast %parallel_loop3A_272 : f32 to vector<16xf32>
      %parallel_loop3A_274 = arith.mulf %parallel_loop3A_252, %parallel_loop3A_273 : vector<16xf32>
      %parallel_loop3A_275 = arith.constant 1.000000e+00 : f32
      %parallel_loop3A_276 = vector.broadcast %parallel_loop3A_275 : f32 to vector<16xf32>
      %parallel_loop3A_277 = arith.subf %parallel_loop3A_276, %parallel_loop3A_247 : vector<16xf32>
      %parallel_loop3A_278 = arith.mulf %parallel_loop3A_247, %parallel_loop3A_247 : vector<16xf32>
      %parallel_loop3A_279 = arith.mulf %parallel_loop3A_278, %parallel_loop3A_247 : vector<16xf32>
      %parallel_loop3A_280 = arith.mulf %parallel_loop3A_277, %parallel_loop3A_277 : vector<16xf32>
      %parallel_loop3A_281 = arith.mulf %parallel_loop3A_280, %parallel_loop3A_277 : vector<16xf32>
      %parallel_loop3A_282 = arith.constant 0.166666672 : f32
      %parallel_loop3A_283 = vector.broadcast %parallel_loop3A_282 : f32 to vector<16xf32>
      %parallel_loop3A_284 = arith.mulf %parallel_loop3A_281, %parallel_loop3A_283 : vector<16xf32>
      %parallel_loop3A_285 = arith.constant 5.000000e-01 : f32
      %parallel_loop3A_286 = vector.broadcast %parallel_loop3A_285 : f32 to vector<16xf32>
      %parallel_loop3A_287 = arith.mulf %parallel_loop3A_286, %parallel_loop3A_279 : vector<16xf32>
      %parallel_loop3A_288 = arith.subf %parallel_loop3A_287, %parallel_loop3A_278 : vector<16xf32>
      %parallel_loop3A_289 = arith.constant 0.666666686 : f32
      %parallel_loop3A_290 = vector.broadcast %parallel_loop3A_289 : f32 to vector<16xf32>
      %parallel_loop3A_291 = arith.addf %parallel_loop3A_288, %parallel_loop3A_290 : vector<16xf32>
      %parallel_loop3A_292 = arith.constant 5.000000e-01 : f32
      %parallel_loop3A_293 = vector.broadcast %parallel_loop3A_292 : f32 to vector<16xf32>
      %parallel_loop3A_294 = arith.mulf %parallel_loop3A_293, %parallel_loop3A_281 : vector<16xf32>
      %parallel_loop3A_295 = arith.subf %parallel_loop3A_294, %parallel_loop3A_280 : vector<16xf32>
      %parallel_loop3A_296 = arith.constant 0.666666686 : f32
      %parallel_loop3A_297 = vector.broadcast %parallel_loop3A_296 : f32 to vector<16xf32>
      %parallel_loop3A_298 = arith.addf %parallel_loop3A_295, %parallel_loop3A_297 : vector<16xf32>
      %parallel_loop3A_299 = arith.constant 0.166666672 : f32
      %parallel_loop3A_300 = vector.broadcast %parallel_loop3A_299 : f32 to vector<16xf32>
      %parallel_loop3A_301 = arith.mulf %parallel_loop3A_279, %parallel_loop3A_300 : vector<16xf32>
      %parallel_loop3A_302 = arith.constant 68 : i32
      %parallel_loop3A_303 = vector.broadcast %parallel_loop3A_302 : i32 to vector<16xi32>
      %parallel_loop3A_304 = arith.muli %parallel_loop3A_236, %parallel_loop3A_303 : vector<16xi32>
      %parallel_loop3A_305 = arith.addi %parallel_loop3A_304, %parallel_loop3A_243 : vector<16xi32>
      %parallel_loop3A_306 = arith.constant 69 : i32
      %parallel_loop3A_307 = vector.broadcast %parallel_loop3A_306 : i32 to vector<16xi32>
      %parallel_loop3A_308 = arith.subi %parallel_loop3A_305, %parallel_loop3A_307 : vector<16xi32>
      %parallel_loop3A_309 = arith.constant 0 : i32
      %parallel_loop3A_310 = vector.broadcast %parallel_loop3A_309 : i32 to vector<16xi32>
      %parallel_loop3A_311 = arith.addi %parallel_loop3A_308, %parallel_loop3A_310 : vector<16xi32>
      %parallel_loop3A_312 = arith.mulf %parallel_loop3A_257, %parallel_loop3A_284 : vector<16xf32>
      tpu.vector_store_idx %arg8[%parallel_loop3A_311], %parallel_loop3A_312 {add = true} : memref<4736xf32, #tpu.memory_space<vmem>>[vector<16xi32>], vector<16xf32>,
      %parallel_loop3A_313 = arith.constant 1 : i32
      %parallel_loop3A_314 = vector.broadcast %parallel_loop3A_313 : i32 to vector<16xi32>
      %parallel_loop3A_315 = arith.addi %parallel_loop3A_308, %parallel_loop3A_314 : vector<16xi32>
      %parallel_loop3A_316 = arith.mulf %parallel_loop3A_257, %parallel_loop3A_291 : vector<16xf32>
      tpu.vector_store_idx %arg8[%parallel_loop3A_315], %parallel_loop3A_316 {add = true} : memref<4736xf32, #tpu.memory_space<vmem>>[vector<16xi32>], vector<16xf32>,
      %parallel_loop3A_317 = arith.constant 2 : i32
      %parallel_loop3A_318 = vector.broadcast %parallel_loop3A_317 : i32 to vector<16xi32>
      %parallel_loop3A_319 = arith.addi %parallel_loop3A_308, %parallel_loop3A_318 : vector<16xi32>
      %parallel_loop3A_320 = arith.mulf %parallel_loop3A_257, %parallel_loop3A_298 : vector<16xf32>
      tpu.vector_store_idx %arg8[%parallel_loop3A_319], %parallel_loop3A_320 {add = true} : memref<4736xf32, #tpu.memory_space<vmem>>[vector<16xi32>], vector<16xf32>,
      %parallel_loop3A_321 = arith.constant 3 : i32
      %parallel_loop3A_322 = vector.broadcast %parallel_loop3A_321 : i32 to vector<16xi32>
      %parallel_loop3A_323 = arith.addi %parallel_loop3A_308, %parallel_loop3A_322 : vector<16xi32>
      %parallel_loop3A_324 = arith.mulf %parallel_loop3A_257, %parallel_loop3A_301 : vector<16xf32>
      tpu.vector_store_idx %arg8[%parallel_loop3A_323], %parallel_loop3A_324 {add = true} : memref<4736xf32, #tpu.memory_space<vmem>>[vector<16xi32>], vector<16xf32>,
      %parallel_loop3A_325 = arith.constant 68 : i32
      %parallel_loop3A_326 = vector.broadcast %parallel_loop3A_325 : i32 to vector<16xi32>
      %parallel_loop3A_327 = arith.addi %parallel_loop3A_308, %parallel_loop3A_326 : vector<16xi32>
      %parallel_loop3A_328 = arith.mulf %parallel_loop3A_264, %parallel_loop3A_284 : vector<16xf32>
      tpu.vector_store_idx %arg8[%parallel_loop3A_327], %parallel_loop3A_328 {add = true} : memref<4736xf32, #tpu.memory_space<vmem>>[vector<16xi32>], vector<16xf32>,
      %parallel_loop3A_329 = arith.constant 69 : i32
      %parallel_loop3A_330 = vector.broadcast %parallel_loop3A_329 : i32 to vector<16xi32>
      %parallel_loop3A_331 = arith.addi %parallel_loop3A_308, %parallel_loop3A_330 : vector<16xi32>
      %parallel_loop3A_332 = arith.mulf %parallel_loop3A_264, %parallel_loop3A_291 : vector<16xf32>
      tpu.vector_store_idx %arg8[%parallel_loop3A_331], %parallel_loop3A_332 {add = true} : memref<4736xf32, #tpu.memory_space<vmem>>[vector<16xi32>], vector<16xf32>,
      %parallel_loop3A_333 = arith.constant 70 : i32
      %parallel_loop3A_334 = vector.broadcast %parallel_loop3A_333 : i32 to vector<16xi32>
      %parallel_loop3A_335 = arith.addi %parallel_loop3A_308, %parallel_loop3A_334 : vector<16xi32>
      %parallel_loop3A_336 = arith.mulf %parallel_loop3A_264, %parallel_loop3A_298 : vector<16xf32>
      tpu.vector_store_idx %arg8[%parallel_loop3A_335], %parallel_loop3A_336 {add = true} : memref<4736xf32, #tpu.memory_space<vmem>>[vector<16xi32>], vector<16xf32>,
      %parallel_loop3A_337 = arith.constant 71 : i32
      %parallel_loop3A_338 = vector.broadcast %parallel_loop3A_337 : i32 to vector<16xi32>
      %parallel_loop3A_339 = arith.addi %parallel_loop3A_308, %parallel_loop3A_338 : vector<16xi32>
      %parallel_loop3A_340 = arith.mulf %parallel_loop3A_264, %parallel_loop3A_301 : vector<16xf32>
      tpu.vector_store_idx %arg8[%parallel_loop3A_339], %parallel_loop3A_340 {add = true} : memref<4736xf32, #tpu.memory_space<vmem>>[vector<16xi32>], vector<16xf32>,
      %parallel_loop3A_341 = arith.constant 136 : i32
      %parallel_loop3A_342 = vector.broadcast %parallel_loop3A_341 : i32 to vector<16xi32>
      %parallel_loop3A_343 = arith.addi %parallel_loop3A_308, %parallel_loop3A_342 : vector<16xi32>
      %parallel_loop3A_344 = arith.mulf %parallel_loop3A_271, %parallel_loop3A_284 : vector<16xf32>
      tpu.vector_store_idx %arg8[%parallel_loop3A_343], %parallel_loop3A_344 {add = true} : memref<4736xf32, #tpu.memory_space<vmem>>[vector<16xi32>], vector<16xf32>,
      %parallel_loop3A_345 = arith.constant 137 : i32
      %parallel_loop3A_346 = vector.broadcast %parallel_loop3A_345 : i32 to vector<16xi32>
      %parallel_loop3A_347 = arith.addi %parallel_loop3A_308, %parallel_loop3A_346 : vector<16xi32>
      %parallel_loop3A_348 = arith.mulf %parallel_loop3A_271, %parallel_loop3A_291 : vector<16xf32>
      tpu.vector_store_idx %arg8[%parallel_loop3A_347], %parallel_loop3A_348 {add = true} : memref<4736xf32, #tpu.memory_space<vmem>>[vector<16xi32>], vector<16xf32>,
      %parallel_loop3A_349 = arith.constant 138 : i32
      %parallel_loop3A_350 = vector.broadcast %parallel_loop3A_349 : i32 to vector<16xi32>
      %parallel_loop3A_351 = arith.addi %parallel_loop3A_308, %parallel_loop3A_350 : vector<16xi32>
      %parallel_loop3A_352 = arith.mulf %parallel_loop3A_271, %parallel_loop3A_298 : vector<16xf32>
      tpu.vector_store_idx %arg8[%parallel_loop3A_351], %parallel_loop3A_352 {add = true} : memref<4736xf32, #tpu.memory_space<vmem>>[vector<16xi32>], vector<16xf32>,
      %parallel_loop3A_353 = arith.constant 139 : i32
      %parallel_loop3A_354 = vector.broadcast %parallel_loop3A_353 : i32 to vector<16xi32>
      %parallel_loop3A_355 = arith.addi %parallel_loop3A_308, %parallel_loop3A_354 : vector<16xi32>
      %parallel_loop3A_356 = arith.mulf %parallel_loop3A_271, %parallel_loop3A_301 : vector<16xf32>
      tpu.vector_store_idx %arg8[%parallel_loop3A_355], %parallel_loop3A_356 {add = true} : memref<4736xf32, #tpu.memory_space<vmem>>[vector<16xi32>], vector<16xf32>,
      %parallel_loop3A_357 = arith.constant 204 : i32
      %parallel_loop3A_358 = vector.broadcast %parallel_loop3A_357 : i32 to vector<16xi32>
      %parallel_loop3A_359 = arith.addi %parallel_loop3A_308, %parallel_loop3A_358 : vector<16xi32>
      %parallel_loop3A_360 = arith.mulf %parallel_loop3A_274, %parallel_loop3A_284 : vector<16xf32>
      tpu.vector_store_idx %arg8[%parallel_loop3A_359], %parallel_loop3A_360 {add = true} : memref<4736xf32, #tpu.memory_space<vmem>>[vector<16xi32>], vector<16xf32>,
      %parallel_loop3A_361 = arith.constant 205 : i32
      %parallel_loop3A_362 = vector.broadcast %parallel_loop3A_361 : i32 to vector<16xi32>
      %parallel_loop3A_363 = arith.addi %parallel_loop3A_308, %parallel_loop3A_362 : vector<16xi32>
      %parallel_loop3A_364 = arith.mulf %parallel_loop3A_274, %parallel_loop3A_291 : vector<16xf32>
      tpu.vector_store_idx %arg8[%parallel_loop3A_363], %parallel_loop3A_364 {add = true} : memref<4736xf32, #tpu.memory_space<vmem>>[vector<16xi32>], vector<16xf32>,
      %parallel_loop3A_365 = arith.constant 206 : i32
      %parallel_loop3A_366 = vector.broadcast %parallel_loop3A_365 : i32 to vector<16xi32>
      %parallel_loop3A_367 = arith.addi %parallel_loop3A_308, %parallel_loop3A_366 : vector<16xi32>
      %parallel_loop3A_368 = arith.mulf %parallel_loop3A_274, %parallel_loop3A_298 : vector<16xf32>
      tpu.vector_store_idx %arg8[%parallel_loop3A_367], %parallel_loop3A_368 {add = true} : memref<4736xf32, #tpu.memory_space<vmem>>[vector<16xi32>], vector<16xf32>,
      %parallel_loop3A_369 = arith.constant 207 : i32
      %parallel_loop3A_370 = vector.broadcast %parallel_loop3A_369 : i32 to vector<16xi32>
      %parallel_loop3A_371 = arith.addi %parallel_loop3A_308, %parallel_loop3A_370 : vector<16xi32>
      %parallel_loop3A_372 = arith.mulf %parallel_loop3A_274, %parallel_loop3A_301 : vector<16xf32>
      tpu.vector_store_idx %arg8[%parallel_loop3A_371], %parallel_loop3A_372 {add = true} : memref<4736xf32, #tpu.memory_space<vmem>>[vector<16xi32>], vector<16xf32>,
    } {sc.loop_unroll_factor = 8 : i64, sc.parallel_access}
    %eq3A_209 = arith.constant 0 : i32
    %eq3A_210 = arith.cmpi eq, %arg0, %eq3A_209 : i32
    %convert_element_type3A = arith.extui %eq3A_210 : i1 to i32
    %cond3A = arith.constant 0 : i32
    %cond3A_211 = arith.cmpi ne, %convert_element_type3A, %cond3A : i32
    scf.if %cond3A_211 {
      %mul3A_217 = arith.constant 4736 : i32
      %mul3A_218 = arith.muli %arg1, %mul3A_217 : i32
      "tpu.region"() ({
        %run_scoped3A = tpu.sem_alloc : memref<!tpu.dma_semaphore, #tpu.memory_space<semaphore_mem>>
        %dma_start3A = tpu.memref_slice %arg4[%mul3A_218] : memref<75776xf32, #tpu.memory_space<hbm>> -> memref<4736xf32, #tpu.memory_space<hbm>>
        %dma_start3A_219 = tpu.memref_slice %arg4[%mul3A_218] : memref<75776xf32, #tpu.memory_space<hbm>> -> memref<4736xf32, #tpu.memory_space<hbm>>
        tpu.enqueue_dma source(%arg8 : memref<4736xf32, #tpu.memory_space<vmem>>) target(%dma_start3A_219 : memref<4736xf32, #tpu.memory_space<hbm>>) target_semaphore(%run_scoped3A : memref<!tpu.dma_semaphore, #tpu.memory_space<semaphore_mem>>)
        %dma_wait3A = tpu.memref_slice %arg4[%mul3A_218] : memref<75776xf32, #tpu.memory_space<hbm>> -> memref<4736xf32, #tpu.memory_space<hbm>>
        %dma_wait3A_220 = tpu.memref_slice %arg4[%mul3A_218] : memref<75776xf32, #tpu.memory_space<hbm>> -> memref<4736xf32, #tpu.memory_space<hbm>>
        tpu.wait_dma2 semaphore(%run_scoped3A : memref<!tpu.dma_semaphore, #tpu.memory_space<semaphore_mem>>) src(%arg8 : memref<4736xf32, #tpu.memory_space<vmem>>) dst(%dma_wait3A_220 : memref<4736xf32, #tpu.memory_space<hbm>>)
        tpu.yield
      }) : () -> ()
    } else {
    }
    %eq3A_212 = arith.constant 1 : i32
    %eq3A_213 = arith.cmpi eq, %arg0, %eq3A_212 : i32
    %convert_element_type3A_214 = arith.extui %eq3A_213 : i1 to i32
    %cond3A_215 = arith.constant 0 : i32
    %cond3A_216 = arith.cmpi ne, %convert_element_type3A_214, %cond3A_215 : i32
    scf.if %cond3A_216 {
      %mul3A_217 = arith.constant 4736 : i32
      %mul3A_218 = arith.muli %arg1, %mul3A_217 : i32
      "tpu.region"() ({
        %run_scoped3A = tpu.sem_alloc : memref<!tpu.dma_semaphore, #tpu.memory_space<semaphore_mem>>
        %dma_start3A = tpu.memref_slice %arg5[%mul3A_218] : memref<75776xf32, #tpu.memory_space<hbm>> -> memref<4736xf32, #tpu.memory_space<hbm>>
        %dma_start3A_219 = tpu.memref_slice %arg5[%mul3A_218] : memref<75776xf32, #tpu.memory_space<hbm>> -> memref<4736xf32, #tpu.memory_space<hbm>>
        tpu.enqueue_dma source(%arg8 : memref<4736xf32, #tpu.memory_space<vmem>>) target(%dma_start3A_219 : memref<4736xf32, #tpu.memory_space<hbm>>) target_semaphore(%run_scoped3A : memref<!tpu.dma_semaphore, #tpu.memory_space<semaphore_mem>>)
        %dma_wait3A = tpu.memref_slice %arg5[%mul3A_218] : memref<75776xf32, #tpu.memory_space<hbm>> -> memref<4736xf32, #tpu.memory_space<hbm>>
        %dma_wait3A_220 = tpu.memref_slice %arg5[%mul3A_218] : memref<75776xf32, #tpu.memory_space<hbm>> -> memref<4736xf32, #tpu.memory_space<hbm>>
        tpu.wait_dma2 semaphore(%run_scoped3A : memref<!tpu.dma_semaphore, #tpu.memory_space<semaphore_mem>>) src(%arg8 : memref<4736xf32, #tpu.memory_space<vmem>>) dst(%dma_wait3A_220 : memref<4736xf32, #tpu.memory_space<hbm>>)
        tpu.yield
      }) : () -> ()
    } else {
    }
    return
  }
}

module attributes {stable_mosaic.version = 14 : i64} {
  func.func @body(%arg0: memref<75776xf32, #tpu.memory_space<vmem>>, %arg1: memref<75776xf32, #tpu.memory_space<vmem>>, %arg2: memref<2x68xf32, #tpu.memory_space<vmem>>, %arg3: memref<2x68xf32, #tpu.memory_space<vmem>>, %arg4: memref<2x4624xf32, #tpu.memory_space<vmem>>) attributes {dimension_semantics = [], scalar_prefetch = 0 : i64, scratch_operands = 0 : i64, tpu.core_type = #tpu.core_type<tc>} {
    %iota3A = tpu.iota {dimensions = array<i32: 0>} : vector<4736x128xi32>
    %iota3A_0 = tpu.iota {dimensions = array<i32: 1>} : vector<4736x128xi32>
    %jit3A = arith.constant 68 : i32
    %div3A = vector.broadcast %jit3A : i32 to vector<4736x128xi32>
    %div3A_1 = arith.divsi %iota3A, %div3A : vector<4736x128xi32>
    %sign3A = arith.constant 0 : i32
    %sign3A_2 = vector.broadcast %sign3A : i32 to vector<4736x128xi32>
    %sign3A_3 = arith.cmpi sgt, %iota3A, %sign3A_2 : vector<4736x128xi32>
    %sign3A_4 = arith.extui %sign3A_3 : vector<4736x128xi1> to vector<4736x128xi32>
    %sign3A_5 = arith.constant 0 : i32
    %sign3A_6 = vector.broadcast %sign3A_5 : i32 to vector<4736x128xi32>
    %sign3A_7 = arith.cmpi slt, %iota3A, %sign3A_6 : vector<4736x128xi32>
    %sign3A_8 = arith.extui %sign3A_7 : vector<4736x128xi1> to vector<4736x128xi32>
    %sign3A_9 = arith.subi %sign3A_4, %sign3A_8 : vector<4736x128xi32>
    %sign3A_10 = arith.constant 0 : i32
    %sign3A_11 = arith.cmpi sgt, %jit3A, %sign3A_10 : i32
    %sign3A_12 = arith.extui %sign3A_11 : i1 to i32
    %sign3A_13 = arith.constant 0 : i32
    %sign3A_14 = arith.cmpi slt, %jit3A, %sign3A_13 : i32
    %sign3A_15 = arith.extui %sign3A_14 : i1 to i32
    %sign3A_16 = arith.subi %sign3A_12, %sign3A_15 : i32
    %ne3A = vector.broadcast %sign3A_16 : i32 to vector<4736x128xi32>
    %ne3A_17 = arith.cmpi ne, %sign3A_9, %ne3A : vector<4736x128xi32>
    %rem3A = vector.broadcast %jit3A : i32 to vector<4736x128xi32>
    %rem3A_18 = arith.remsi %iota3A, %rem3A : vector<4736x128xi32>
    %ne3A_19 = arith.constant 0 : i32
    %ne3A_20 = vector.broadcast %ne3A_19 : i32 to vector<4736x128xi32>
    %ne3A_21 = arith.cmpi ne, %rem3A_18, %ne3A_20 : vector<4736x128xi32>
    %and3A = arith.andi %ne3A_17, %ne3A_21 : vector<4736x128xi1>
    %sub3A = arith.constant 1 : i32
    %sub3A_22 = vector.broadcast %sub3A : i32 to vector<4736x128xi32>
    %sub3A_23 = arith.subi %div3A_1, %sub3A_22 : vector<4736x128xi32>
    %select_n3A = arith.select %and3A, %sub3A_23, %div3A_1 : vector<4736x128xi1>, vector<4736x128xi32>
    %eq3A = arith.cmpi eq, %select_n3A, %iota3A_0 : vector<4736x128xi32>
    %convert_element_type3A = arith.extui %eq3A : vector<4736x128xi1> to vector<4736x128xi32>
    %convert_element_type3A_24 = arith.sitofp %convert_element_type3A : vector<4736x128xi32> to vector<4736x128xf32>
    %jit3A_25 = arith.constant 68 : i32
    %eq3A_26 = arith.constant 0 : i32
    %eq3A_27 = arith.cmpi eq, %jit3A_25, %eq3A_26 : i32
    %jit3A_28 = arith.constant 1 : i32
    %select_n3A_29 = arith.select %eq3A_27, %jit3A_28, %jit3A_25 : i32
    %rem3A_30 = vector.broadcast %select_n3A_29 : i32 to vector<4736x128xi32>
    %rem3A_31 = arith.remsi %iota3A, %rem3A_30 : vector<4736x128xi32>
    %ne3A_32 = arith.constant 0 : i32
    %ne3A_33 = vector.broadcast %ne3A_32 : i32 to vector<4736x128xi32>
    %ne3A_34 = arith.cmpi ne, %rem3A_31, %ne3A_33 : vector<4736x128xi32>
    %lt3A = arith.constant 0 : i32
    %lt3A_35 = vector.broadcast %lt3A : i32 to vector<4736x128xi32>
    %lt3A_36 = arith.cmpi slt, %rem3A_31, %lt3A_35 : vector<4736x128xi32>
    %lt3A_37 = arith.constant 0 : i32
    %lt3A_38 = arith.cmpi slt, %select_n3A_29, %lt3A_37 : i32
    %ne3A_39 = vector.broadcast %lt3A_38 : i1 to vector<4736x128xi1>
    %ne3A_40 = vector.broadcast %ne3A_39 : vector<4736x128xi1> to vector<4736x128xi1>
    %ne3A_41 = arith.xori %lt3A_36, %ne3A_40 : vector<4736x128xi1>
    %and3A_42 = arith.andi %ne3A_41, %ne3A_34 : vector<4736x128xi1>
    %add3A = vector.broadcast %select_n3A_29 : i32 to vector<4736x128xi32>
    %add3A_43 = arith.addi %rem3A_31, %add3A : vector<4736x128xi32>
    %select_n3A_44 = arith.select %and3A_42, %add3A_43, %rem3A_31 : vector<4736x128xi1>, vector<4736x128xi32>
    %eq3A_45 = arith.cmpi eq, %select_n3A_44, %iota3A_0 : vector<4736x128xi32>
    %convert_element_type3A_46 = arith.extui %eq3A_45 : vector<4736x128xi1> to vector<4736x128xi32>
    %convert_element_type3A_47 = arith.sitofp %convert_element_type3A_46 : vector<4736x128xi32> to vector<4736x128xf32>
    %get3A = arith.constant 0 : index
    %get3A_48 = vector.load %arg0[%get3A] : memref<75776xf32, #tpu.memory_space<vmem>>, vector<4736xf32>
    %get3A_49 = arith.constant 4736 : index
    %get3A_50 = vector.load %arg0[%get3A_49] : memref<75776xf32, #tpu.memory_space<vmem>>, vector<4736xf32>
    %add3A_51 = arith.addf %get3A_48, %get3A_50 : vector<4736xf32>
    %get3A_52 = arith.constant 9472 : index
    %get3A_53 = vector.load %arg0[%get3A_52] : memref<75776xf32, #tpu.memory_space<vmem>>, vector<4736xf32>
    %add3A_54 = arith.addf %add3A_51, %get3A_53 : vector<4736xf32>
    %get3A_55 = arith.constant 14208 : index
    %get3A_56 = vector.load %arg0[%get3A_55] : memref<75776xf32, #tpu.memory_space<vmem>>, vector<4736xf32>
    %add3A_57 = arith.addf %add3A_54, %get3A_56 : vector<4736xf32>
    %get3A_58 = arith.constant 18944 : index
    %get3A_59 = vector.load %arg0[%get3A_58] : memref<75776xf32, #tpu.memory_space<vmem>>, vector<4736xf32>
    %add3A_60 = arith.addf %add3A_57, %get3A_59 : vector<4736xf32>
    %get3A_61 = arith.constant 23680 : index
    %get3A_62 = vector.load %arg0[%get3A_61] : memref<75776xf32, #tpu.memory_space<vmem>>, vector<4736xf32>
    %add3A_63 = arith.addf %add3A_60, %get3A_62 : vector<4736xf32>
    %get3A_64 = arith.constant 28416 : index
    %get3A_65 = vector.load %arg0[%get3A_64] : memref<75776xf32, #tpu.memory_space<vmem>>, vector<4736xf32>
    %add3A_66 = arith.addf %add3A_63, %get3A_65 : vector<4736xf32>
    %get3A_67 = arith.constant 33152 : index
    %get3A_68 = vector.load %arg0[%get3A_67] : memref<75776xf32, #tpu.memory_space<vmem>>, vector<4736xf32>
    %add3A_69 = arith.addf %add3A_66, %get3A_68 : vector<4736xf32>
    %get3A_70 = arith.constant 37888 : index
    %get3A_71 = vector.load %arg0[%get3A_70] : memref<75776xf32, #tpu.memory_space<vmem>>, vector<4736xf32>
    %add3A_72 = arith.addf %add3A_69, %get3A_71 : vector<4736xf32>
    %get3A_73 = arith.constant 42624 : index
    %get3A_74 = vector.load %arg0[%get3A_73] : memref<75776xf32, #tpu.memory_space<vmem>>, vector<4736xf32>
    %add3A_75 = arith.addf %add3A_72, %get3A_74 : vector<4736xf32>
    %get3A_76 = arith.constant 47360 : index
    %get3A_77 = vector.load %arg0[%get3A_76] : memref<75776xf32, #tpu.memory_space<vmem>>, vector<4736xf32>
    %add3A_78 = arith.addf %add3A_75, %get3A_77 : vector<4736xf32>
    %get3A_79 = arith.constant 52096 : index
    %get3A_80 = vector.load %arg0[%get3A_79] : memref<75776xf32, #tpu.memory_space<vmem>>, vector<4736xf32>
    %add3A_81 = arith.addf %add3A_78, %get3A_80 : vector<4736xf32>
    %get3A_82 = arith.constant 56832 : index
    %get3A_83 = vector.load %arg0[%get3A_82] : memref<75776xf32, #tpu.memory_space<vmem>>, vector<4736xf32>
    %add3A_84 = arith.addf %add3A_81, %get3A_83 : vector<4736xf32>
    %get3A_85 = arith.constant 61568 : index
    %get3A_86 = vector.load %arg0[%get3A_85] : memref<75776xf32, #tpu.memory_space<vmem>>, vector<4736xf32>
    %add3A_87 = arith.addf %add3A_84, %get3A_86 : vector<4736xf32>
    %get3A_88 = arith.constant 66304 : index
    %get3A_89 = vector.load %arg0[%get3A_88] : memref<75776xf32, #tpu.memory_space<vmem>>, vector<4736xf32>
    %add3A_90 = arith.addf %add3A_87, %get3A_89 : vector<4736xf32>
    %get3A_91 = arith.constant 71040 : index
    %get3A_92 = vector.load %arg0[%get3A_91] : memref<75776xf32, #tpu.memory_space<vmem>>, vector<4736xf32>
    %add3A_93 = arith.addf %add3A_90, %get3A_92 : vector<4736xf32>
    %broadcast_in_dim3A = vector.shape_cast %add3A_93 : vector<4736xf32> to vector<1x4736xf32>
    %dot_general3A = arith.constant dense<0.000000e+00> : vector<1x128xf32>
    %dot_general3A_94 = tpu.matmul %broadcast_in_dim3A, %convert_element_type3A_24, %dot_general3A {dimension_numbers = #tpu.dot_dimension_numbers<[1], [0], [0], [1], [0, 0, 1, 1], [], []>, transpose_lhs_hint = false} : vector<1x4736xf32>, vector<4736x128xf32>, vector<1x128xf32> -> vector<1x128xf32>
    %dot_general3A_95 = arith.constant dense<0.000000e+00> : vector<1x128xf32>
    %dot_general3A_96 = tpu.matmul %broadcast_in_dim3A, %convert_element_type3A_47, %dot_general3A_95 {dimension_numbers = #tpu.dot_dimension_numbers<[1], [0], [0], [1], [0, 0, 1, 1], [], []>, transpose_lhs_hint = false} : vector<1x4736xf32>, vector<4736x128xf32>, vector<1x128xf32> -> vector<1x128xf32>
    %reduce_sum3A = arith.constant dense<0.000000e+00> : vector<1xf32>
    %reduce_sum3A_97 = vector.multi_reduction <add>, %dot_general3A_94, %reduce_sum3A [1] : vector<1x128xf32> to vector<1xf32>
    %broadcast_in_dim3A_98 = vector.shape_cast %reduce_sum3A_97 : vector<1xf32> to vector<1x1xf32>
    %max3A = arith.constant 9.99999993E-9 : f32
    %max3A_99 = vector.broadcast %max3A : f32 to vector<1x1xf32>
    %max3A_100 = arith.maximumf %broadcast_in_dim3A_98, %max3A_99 : vector<1x1xf32>
    %div3A_101 = vector.broadcast %max3A_100 : vector<1x1xf32> to vector<1x128xf32>
    %div3A_102 = arith.divf %dot_general3A_94, %div3A_101 : vector<1x128xf32>
    %slice3A = vector.extract_strided_slice %div3A_102 {offsets = [0, 0], sizes = [1, 68], strides = [1, 1]} : vector<1x128xf32> to vector<1x68xf32>
    %squeeze3A = vector.shape_cast %slice3A : vector<1x68xf32> to vector<68xf32>
    %swap3A = arith.constant 0 : index
    %swap3A_103 = arith.constant 0 : index
    %swap3A_104 = vector.load %arg2[%swap3A, %swap3A_103] : memref<2x68xf32, #tpu.memory_space<vmem>>, vector<1x68xf32>
    %swap3A_105 = vector.shape_cast %swap3A_104 : vector<1x68xf32> to vector<68xf32>
    %swap3A_106 = vector.shape_cast %squeeze3A : vector<68xf32> to vector<1x68xf32>
    tpu.vector_store %arg2[%swap3A, %swap3A_103], %swap3A_106 {strides = array<i32>} : memref<2x68xf32, #tpu.memory_space<vmem>>, vector<1x68xf32>,
    %reduce_sum3A_107 = arith.constant dense<0.000000e+00> : vector<1xf32>
    %reduce_sum3A_108 = vector.multi_reduction <add>, %dot_general3A_96, %reduce_sum3A_107 [1] : vector<1x128xf32> to vector<1xf32>
    %broadcast_in_dim3A_109 = vector.shape_cast %reduce_sum3A_108 : vector<1xf32> to vector<1x1xf32>
    %max3A_110 = arith.constant 9.99999993E-9 : f32
    %max3A_111 = vector.broadcast %max3A_110 : f32 to vector<1x1xf32>
    %max3A_112 = arith.maximumf %broadcast_in_dim3A_109, %max3A_111 : vector<1x1xf32>
    %div3A_113 = vector.broadcast %max3A_112 : vector<1x1xf32> to vector<1x128xf32>
    %div3A_114 = arith.divf %dot_general3A_96, %div3A_113 : vector<1x128xf32>
    %slice3A_115 = vector.extract_strided_slice %div3A_114 {offsets = [0, 0], sizes = [1, 68], strides = [1, 1]} : vector<1x128xf32> to vector<1x68xf32>
    %squeeze3A_116 = vector.shape_cast %slice3A_115 : vector<1x68xf32> to vector<68xf32>
    %swap3A_117 = arith.constant 0 : index
    %swap3A_118 = arith.constant 0 : index
    %swap3A_119 = vector.load %arg3[%swap3A_117, %swap3A_118] : memref<2x68xf32, #tpu.memory_space<vmem>>, vector<1x68xf32>
    %swap3A_120 = vector.shape_cast %swap3A_119 : vector<1x68xf32> to vector<68xf32>
    %swap3A_121 = vector.shape_cast %squeeze3A_116 : vector<68xf32> to vector<1x68xf32>
    tpu.vector_store %arg3[%swap3A_117, %swap3A_118], %swap3A_121 {strides = array<i32>} : memref<2x68xf32, #tpu.memory_space<vmem>>, vector<1x68xf32>,
    %reduce_sum3A_122 = arith.constant dense<0.000000e+00> : vector<1xf32>
    %reduce_sum3A_123 = vector.multi_reduction <add>, %broadcast_in_dim3A, %reduce_sum3A_122 [1] : vector<1x4736xf32> to vector<1xf32>
    %broadcast_in_dim3A_124 = vector.shape_cast %reduce_sum3A_123 : vector<1xf32> to vector<1x1xf32>
    %max3A_125 = arith.constant 9.99999993E-9 : f32
    %max3A_126 = vector.broadcast %max3A_125 : f32 to vector<1x1xf32>
    %max3A_127 = arith.maximumf %broadcast_in_dim3A_124, %max3A_126 : vector<1x1xf32>
    %div3A_128 = vector.broadcast %max3A_127 : vector<1x1xf32> to vector<1x4736xf32>
    %div3A_129 = arith.divf %broadcast_in_dim3A, %div3A_128 : vector<1x4736xf32>
    %slice3A_130 = vector.extract_strided_slice %div3A_129 {offsets = [0, 0], sizes = [1, 4624], strides = [1, 1]} : vector<1x4736xf32> to vector<1x4624xf32>
    %squeeze3A_131 = vector.shape_cast %slice3A_130 : vector<1x4624xf32> to vector<4624xf32>
    %swap3A_132 = arith.constant 0 : index
    %swap3A_133 = arith.constant 0 : index
    %swap3A_134 = vector.load %arg4[%swap3A_132, %swap3A_133] : memref<2x4624xf32, #tpu.memory_space<vmem>>, vector<1x4624xf32>
    %swap3A_135 = vector.shape_cast %swap3A_134 : vector<1x4624xf32> to vector<4624xf32>
    %swap3A_136 = vector.shape_cast %squeeze3A_131 : vector<4624xf32> to vector<1x4624xf32>
    tpu.vector_store %arg4[%swap3A_132, %swap3A_133], %swap3A_136 {strides = array<i32>} : memref<2x4624xf32, #tpu.memory_space<vmem>>, vector<1x4624xf32>,
    %get3A_137 = arith.constant 0 : index
    %get3A_138 = vector.load %arg1[%get3A_137] : memref<75776xf32, #tpu.memory_space<vmem>>, vector<4736xf32>
    %get3A_139 = arith.constant 4736 : index
    %get3A_140 = vector.load %arg1[%get3A_139] : memref<75776xf32, #tpu.memory_space<vmem>>, vector<4736xf32>
    %add3A_141 = arith.addf %get3A_138, %get3A_140 : vector<4736xf32>
    %get3A_142 = arith.constant 9472 : index
    %get3A_143 = vector.load %arg1[%get3A_142] : memref<75776xf32, #tpu.memory_space<vmem>>, vector<4736xf32>
    %add3A_144 = arith.addf %add3A_141, %get3A_143 : vector<4736xf32>
    %get3A_145 = arith.constant 14208 : index
    %get3A_146 = vector.load %arg1[%get3A_145] : memref<75776xf32, #tpu.memory_space<vmem>>, vector<4736xf32>
    %add3A_147 = arith.addf %add3A_144, %get3A_146 : vector<4736xf32>
    %get3A_148 = arith.constant 18944 : index
    %get3A_149 = vector.load %arg1[%get3A_148] : memref<75776xf32, #tpu.memory_space<vmem>>, vector<4736xf32>
    %add3A_150 = arith.addf %add3A_147, %get3A_149 : vector<4736xf32>
    %get3A_151 = arith.constant 23680 : index
    %get3A_152 = vector.load %arg1[%get3A_151] : memref<75776xf32, #tpu.memory_space<vmem>>, vector<4736xf32>
    %add3A_153 = arith.addf %add3A_150, %get3A_152 : vector<4736xf32>
    %get3A_154 = arith.constant 28416 : index
    %get3A_155 = vector.load %arg1[%get3A_154] : memref<75776xf32, #tpu.memory_space<vmem>>, vector<4736xf32>
    %add3A_156 = arith.addf %add3A_153, %get3A_155 : vector<4736xf32>
    %get3A_157 = arith.constant 33152 : index
    %get3A_158 = vector.load %arg1[%get3A_157] : memref<75776xf32, #tpu.memory_space<vmem>>, vector<4736xf32>
    %add3A_159 = arith.addf %add3A_156, %get3A_158 : vector<4736xf32>
    %get3A_160 = arith.constant 37888 : index
    %get3A_161 = vector.load %arg1[%get3A_160] : memref<75776xf32, #tpu.memory_space<vmem>>, vector<4736xf32>
    %add3A_162 = arith.addf %add3A_159, %get3A_161 : vector<4736xf32>
    %get3A_163 = arith.constant 42624 : index
    %get3A_164 = vector.load %arg1[%get3A_163] : memref<75776xf32, #tpu.memory_space<vmem>>, vector<4736xf32>
    %add3A_165 = arith.addf %add3A_162, %get3A_164 : vector<4736xf32>
    %get3A_166 = arith.constant 47360 : index
    %get3A_167 = vector.load %arg1[%get3A_166] : memref<75776xf32, #tpu.memory_space<vmem>>, vector<4736xf32>
    %add3A_168 = arith.addf %add3A_165, %get3A_167 : vector<4736xf32>
    %get3A_169 = arith.constant 52096 : index
    %get3A_170 = vector.load %arg1[%get3A_169] : memref<75776xf32, #tpu.memory_space<vmem>>, vector<4736xf32>
    %add3A_171 = arith.addf %add3A_168, %get3A_170 : vector<4736xf32>
    %get3A_172 = arith.constant 56832 : index
    %get3A_173 = vector.load %arg1[%get3A_172] : memref<75776xf32, #tpu.memory_space<vmem>>, vector<4736xf32>
    %add3A_174 = arith.addf %add3A_171, %get3A_173 : vector<4736xf32>
    %get3A_175 = arith.constant 61568 : index
    %get3A_176 = vector.load %arg1[%get3A_175] : memref<75776xf32, #tpu.memory_space<vmem>>, vector<4736xf32>
    %add3A_177 = arith.addf %add3A_174, %get3A_176 : vector<4736xf32>
    %get3A_178 = arith.constant 66304 : index
    %get3A_179 = vector.load %arg1[%get3A_178] : memref<75776xf32, #tpu.memory_space<vmem>>, vector<4736xf32>
    %add3A_180 = arith.addf %add3A_177, %get3A_179 : vector<4736xf32>
    %get3A_181 = arith.constant 71040 : index
    %get3A_182 = vector.load %arg1[%get3A_181] : memref<75776xf32, #tpu.memory_space<vmem>>, vector<4736xf32>
    %add3A_183 = arith.addf %add3A_180, %get3A_182 : vector<4736xf32>
    %broadcast_in_dim3A_184 = vector.shape_cast %add3A_183 : vector<4736xf32> to vector<1x4736xf32>
    %dot_general3A_185 = arith.constant dense<0.000000e+00> : vector<1x128xf32>
    %dot_general3A_186 = tpu.matmul %broadcast_in_dim3A_184, %convert_element_type3A_24, %dot_general3A_185 {dimension_numbers = #tpu.dot_dimension_numbers<[1], [0], [0], [1], [0, 0, 1, 1], [], []>, transpose_lhs_hint = false} : vector<1x4736xf32>, vector<4736x128xf32>, vector<1x128xf32> -> vector<1x128xf32>
    %dot_general3A_187 = arith.constant dense<0.000000e+00> : vector<1x128xf32>
    %dot_general3A_188 = tpu.matmul %broadcast_in_dim3A_184, %convert_element_type3A_47, %dot_general3A_187 {dimension_numbers = #tpu.dot_dimension_numbers<[1], [0], [0], [1], [0, 0, 1, 1], [], []>, transpose_lhs_hint = false} : vector<1x4736xf32>, vector<4736x128xf32>, vector<1x128xf32> -> vector<1x128xf32>
    %reduce_sum3A_189 = arith.constant dense<0.000000e+00> : vector<1xf32>
    %reduce_sum3A_190 = vector.multi_reduction <add>, %dot_general3A_186, %reduce_sum3A_189 [1] : vector<1x128xf32> to vector<1xf32>
    %broadcast_in_dim3A_191 = vector.shape_cast %reduce_sum3A_190 : vector<1xf32> to vector<1x1xf32>
    %max3A_192 = arith.constant 9.99999993E-9 : f32
    %max3A_193 = vector.broadcast %max3A_192 : f32 to vector<1x1xf32>
    %max3A_194 = arith.maximumf %broadcast_in_dim3A_191, %max3A_193 : vector<1x1xf32>
    %div3A_195 = vector.broadcast %max3A_194 : vector<1x1xf32> to vector<1x128xf32>
    %div3A_196 = arith.divf %dot_general3A_186, %div3A_195 : vector<1x128xf32>
    %slice3A_197 = vector.extract_strided_slice %div3A_196 {offsets = [0, 0], sizes = [1, 68], strides = [1, 1]} : vector<1x128xf32> to vector<1x68xf32>
    %squeeze3A_198 = vector.shape_cast %slice3A_197 : vector<1x68xf32> to vector<68xf32>
    %swap3A_199 = arith.constant 1 : index
    %swap3A_200 = arith.constant 0 : index
    %swap3A_201 = vector.load %arg2[%swap3A_199, %swap3A_200] : memref<2x68xf32, #tpu.memory_space<vmem>>, vector<1x68xf32>
    %swap3A_202 = vector.shape_cast %swap3A_201 : vector<1x68xf32> to vector<68xf32>
    %swap3A_203 = vector.shape_cast %squeeze3A_198 : vector<68xf32> to vector<1x68xf32>
    tpu.vector_store %arg2[%swap3A_199, %swap3A_200], %swap3A_203 {strides = array<i32>} : memref<2x68xf32, #tpu.memory_space<vmem>>, vector<1x68xf32>,
    %reduce_sum3A_204 = arith.constant dense<0.000000e+00> : vector<1xf32>
    %reduce_sum3A_205 = vector.multi_reduction <add>, %dot_general3A_188, %reduce_sum3A_204 [1] : vector<1x128xf32> to vector<1xf32>
    %broadcast_in_dim3A_206 = vector.shape_cast %reduce_sum3A_205 : vector<1xf32> to vector<1x1xf32>
    %max3A_207 = arith.constant 9.99999993E-9 : f32
    %max3A_208 = vector.broadcast %max3A_207 : f32 to vector<1x1xf32>
    %max3A_209 = arith.maximumf %broadcast_in_dim3A_206, %max3A_208 : vector<1x1xf32>
    %div3A_210 = vector.broadcast %max3A_209 : vector<1x1xf32> to vector<1x128xf32>
    %div3A_211 = arith.divf %dot_general3A_188, %div3A_210 : vector<1x128xf32>
    %slice3A_212 = vector.extract_strided_slice %div3A_211 {offsets = [0, 0], sizes = [1, 68], strides = [1, 1]} : vector<1x128xf32> to vector<1x68xf32>
    %squeeze3A_213 = vector.shape_cast %slice3A_212 : vector<1x68xf32> to vector<68xf32>
    %swap3A_214 = arith.constant 1 : index
    %swap3A_215 = arith.constant 0 : index
    %swap3A_216 = vector.load %arg3[%swap3A_214, %swap3A_215] : memref<2x68xf32, #tpu.memory_space<vmem>>, vector<1x68xf32>
    %swap3A_217 = vector.shape_cast %swap3A_216 : vector<1x68xf32> to vector<68xf32>
    %swap3A_218 = vector.shape_cast %squeeze3A_213 : vector<68xf32> to vector<1x68xf32>
    tpu.vector_store %arg3[%swap3A_214, %swap3A_215], %swap3A_218 {strides = array<i32>} : memref<2x68xf32, #tpu.memory_space<vmem>>, vector<1x68xf32>,
    %reduce_sum3A_219 = arith.constant dense<0.000000e+00> : vector<1xf32>
    %reduce_sum3A_220 = vector.multi_reduction <add>, %broadcast_in_dim3A_184, %reduce_sum3A_219 [1] : vector<1x4736xf32> to vector<1xf32>
    %broadcast_in_dim3A_221 = vector.shape_cast %reduce_sum3A_220 : vector<1xf32> to vector<1x1xf32>
    %max3A_222 = arith.constant 9.99999993E-9 : f32
    %max3A_223 = vector.broadcast %max3A_222 : f32 to vector<1x1xf32>
    %max3A_224 = arith.maximumf %broadcast_in_dim3A_221, %max3A_223 : vector<1x1xf32>
    %div3A_225 = vector.broadcast %max3A_224 : vector<1x1xf32> to vector<1x4736xf32>
    %div3A_226 = arith.divf %broadcast_in_dim3A_184, %div3A_225 : vector<1x4736xf32>
    %slice3A_227 = vector.extract_strided_slice %div3A_226 {offsets = [0, 0], sizes = [1, 4624], strides = [1, 1]} : vector<1x4736xf32> to vector<1x4624xf32>
    %squeeze3A_228 = vector.shape_cast %slice3A_227 : vector<1x4624xf32> to vector<4624xf32>
    %swap3A_229 = arith.constant 1 : index
    %swap3A_230 = arith.constant 0 : index
    %swap3A_231 = vector.load %arg4[%swap3A_229, %swap3A_230] : memref<2x4624xf32, #tpu.memory_space<vmem>>, vector<1x4624xf32>
    %swap3A_232 = vector.shape_cast %swap3A_231 : vector<1x4624xf32> to vector<4624xf32>
    %swap3A_233 = vector.shape_cast %squeeze3A_228 : vector<4624xf32> to vector<1x4624xf32>
    tpu.vector_store %arg4[%swap3A_229, %swap3A_230], %swap3A_233 {strides = array<i32>} : memref<2x4624xf32, #tpu.memory_space<vmem>>, vector<1x4624xf32>,
    return
  }
}

</mosaic_0001>

<sc_bundles>
// kernel: kernel.4.cloned.1.call-start
scs
__scs_entry_jumppad:
0x0: {  	(pc) =	sbr.rel $0x88, $3  }
0x1: {  	(tag) =	ssettag $0x0;
	lr =	simm.s32 $0x1  }
0x2: {  	[smem:$0x3F9F] =	sst lr;
	_ =	strace $0xD0000000  }
0x3: {  	_ = 	snop  }
0x4: {  	_ = 	snop  }
0x5: {  	_ = 	snop  }
0x6: {  	_ = 	snop  }
0x7: {  	_ = 	snop  }
__scs_overlays_trampoline_lowered:
0x8: {  	[smem:$0x3FAE] =	sst s0  }
0x9: {  	[smem:$0x3FAF] =	sst s1  }
0xa: {  	[smem:$0x3FB0] =	sst s2  }
0xb: {  	[smem:$0x3FB1] =	sst s3  }
0xc: {  	[smem:$0x3FB2] =	sst s4  }
0xd: {  	[smem:$0x3FB3] =	sst s5  }
0xe: {  	[smem:$0x3FB4] =	sst s6  }
0xf: {  	[smem:$0x3FB5] =	sst s7  }
0x10: {  	[smem:$0x3FB6] =	sst s8  }
0x11: {  	[smem:$0x3FB7] =	sst s9;
	s0 =	simm.s32 @!p0 $0x0  }
0x12: {  	s1 =	sld [smem:$0x3F9D];
	s0 =	simm.s32 @p0 $0x1  }
0x13: {  	[smem:$0x3FB8] =	sst s0;
	s0 =	simm.s32 @!p1 $0x0  }
0x14: {  	s2 =	sld [smem:$0x3F9C];
	s0 =	simm.s32 @p1 $0x1  }
0x15: {  	[smem:$0x3FB9] =	sst s0;
	s0 =	simm.s32 @!p2 $0x0  }
0x16: {  	s3 =	sld [smem:$0x3FDB];
	s0 =	simm.s32 @p2 $0x1  }
0x17: {  	s4 =	simm.s32 $0x1BF5;
	[smem:$0x3FBB] =	sst s0  }
0x18: {  	s0 =	sld [smem:$0x3F9E];
	_ =	swait.ge [sflag:s4], $0x0  }
0x19: {  	s7 =	sld [smem:$0x3F9F]  }
0x1a: {  	s8 =	sadd.s32 $0xFFFFE003, lr  }
0x1b: {  	s9 =	sadd.s32 $0xFFFFFEF7, lr;
	s5 =	simm.s32 $0xFFFFFFFF;
	p2 =	slt.u32 s8, $0xFFFFF086  }
0x1c: {  	p1 =	slt.u32 s9, $0xF7A;
	s5 =	simm.s32 @!p2 $0x0  }
0x1d: {  	s5 =	simm.s32 @p1 $0x1;
	p0 =	seq.s32 s7, s2  }
0x1e: {  	s7 =	smul.u32 @!p0 $0xF7A, s2;
	p2 =	seq.s32 @!p0 s5, $0x0  }
0x1f: {  	s9 =	smul.u32 $0xF7A, s1;
	s8 =	simm.s32 @!p0 $0x1BF5;
	p2 =	por !p2, p0  }
0x20: {  	[sflag:s8] =	ssyncset.s32 @!p0 $0xFFFFF086;
	s6 =	sadd.s32 @!p0 s3, s7;
	s7 =	simm.s32 @!p0 $0x108  }
0x21: {  	s3 =	sadd.s32 s3, s9;
	s6 =	sadd.s32 @!p0 $0x88, s6;
	s7 =	simm.s32 @p2 $0x1082  }
0x22: {  	[simem:s7], [sflag:s8] =	dma.local @!p0 [hbm:s6], $0xF7A  }
0x23: {  	s9 =	sor.u32 $0xD0000000, s2;
	s6 =	simm.s32 $0x108;
	_ =	swait.ge @!p0 [sflag:s8], $0x0  }
0x24: {  	s3 =	sadd.s32 $0x88, s3;
	s6 =	simm.s32 @!p1 $0x1082;
	[sflag:s4] =	ssyncset.s32 $0xFFFFF086  }
0x25: {  	[simem:s6], [sflag:s4] =	dma.local [hbm:s3], $0xF7A  }
0x26: {  	[smem:$0x3F9F] =	sst s1;
	(tag) =	ssettag s2;
	_ =	strace s9  }
0x27: {  	s1 =	sld [smem:$0x3FAF]  }
0x28: {  	s2 =	sld [smem:$0x3FB0]  }
0x29: {  	s4 =	sld [smem:$0x3FB2]  }
0x2a: {  	p0 =	seq.s32 s5, $0x0;
	s5 =	sld [smem:$0x3FB3]  }
0x2b: {  	s6 =	sld [smem:$0x3FB4]  }
0x2c: {  	s7 =	sld [smem:$0x3FB5]  }
0x2d: {  	s3 =	simm.s32 $0x108;
	s8 =	sld [smem:$0x3FB6]  }
0x2e: {  	s3 =	simm.s32 @!p0 $0x1082;
	s9 =	sld [smem:$0x3FB7]  }
0x2f: {  	lr =	sadd.s32 s0, s3;
	s0 =	sld [smem:$0x3FAE]  }
0x30: {  	s3 =	sld [smem:$0x3FB1]  }
0x31: {  	[smem:$0x3FBA] =	sst s10  }
0x32: {  	s10 =	sld [smem:$0x3FB8];
	_ =	sdelay $0x3  }
0x33: {  	p0 =	seq.s32 s10, $0x1;
	s10 =	sld [smem:$0x3FBA];
	_ =	sdelay $0x3  }
0x34: {  	[smem:$0x3FBA] =	sst s10  }
0x35: {  	s10 =	sld [smem:$0x3FB9];
	_ =	sdelay $0x3  }
0x36: {  	p1 =	seq.s32 s10, $0x1;
	s10 =	sld [smem:$0x3FBA];
	_ =	sdelay $0x3  }
0x37: {  	[smem:$0x3FBA] =	sst s10  }
0x38: {  	s10 =	sld [smem:$0x3FBB]  }
0x39: {  	_ = 	snop;
	(pc) =	sbr.ind lr, $3  }
0x3a: {  	_ = 	snop  }
0x3b: {  	_ = 	snop  }
0x3c: {  	p2 =	seq.s32 s10, $0x1;
	s10 =	sld [smem:$0x3FBA]  }
0x3d: {  	_ =	shalt  }
0x3e: {  	_ =	shalt  }
0x3f: {  	_ =	shalt  }
0x40: {  	_ =	shalt  }
0x41: {  	_ =	shalt  }
0x42: {  	_ =	shalt  }
0x43: {  	_ =	shalt  }
0x44: {  	_ =	shalt  }
0x45: {  	_ =	shalt  }
0x46: {  	_ =	shalt  }
0x47: {  	_ =	shalt  }
0x48: {  	_ =	shalt  }
0x49: {  	_ =	shalt  }
0x4a: {  	_ =	shalt  }
0x4b: {  	_ =	shalt  }
0x4c: {  	_ =	shalt  }
0x4d: {  	_ =	shalt  }
0x4e: {  	_ =	shalt  }
0x4f: {  	_ =	shalt  }
0x50: {  	_ =	shalt  }
0x51: {  	_ =	shalt  }
0x52: {  	_ =	shalt  }
0x53: {  	_ =	shalt  }
0x54: {  	_ =	shalt  }
0x55: {  	_ =	shalt  }
0x56: {  	_ =	shalt  }
0x57: {  	_ =	shalt  }
0x58: {  	_ =	shalt  }
0x59: {  	_ =	shalt  }
0x5a: {  	_ =	shalt  }
0x5b: {  	_ =	shalt  }
0x5c: {  	_ =	shalt  }
0x5d: {  	_ =	shalt  }
0x5e: {  	_ =	shalt  }
0x5f: {  	_ =	shalt  }
0x60: {  	_ =	shalt  }
0x61: {  	_ =	shalt  }
0x62: {  	_ =	shalt  }
0x63: {  	_ =	shalt  }
0x64: {  	_ =	shalt  }
0x65: {  	_ =	shalt  }
0x66: {  	_ =	shalt  }
0x67: {  	_ =	shalt  }
0x68: {  	_ =	shalt  }
0x69: {  	_ =	shalt  }
0x6a: {  	_ =	shalt  }
0x6b: {  	_ =	shalt  }
0x6c: {  	_ =	shalt  }
0x6d: {  	_ =	shalt  }
0x6e: {  	_ =	shalt  }
0x6f: {  	_ =	shalt  }
0x70: {  	_ =	shalt  }
0x71: {  	_ =	shalt  }
0x72: {  	_ =	shalt  }
0x73: {  	_ =	shalt  }
0x74: {  	_ =	shalt  }
0x75: {  	_ =	shalt  }
0x76: {  	_ =	shalt  }
0x77: {  	_ =	shalt  }
0x78: {  	_ =	shalt  }
0x79: {  	_ =	shalt  }
0x7a: {  	_ =	shalt  }
0x7b: {  	_ =	shalt  }
0x7c: {  	_ =	shalt  }
0x7d: {  	_ =	shalt  }
0x7e: {  	_ =	shalt  }
0x7f: {  	_ =	shalt  }
0x80: {  	_ =	shalt  }
0x81: {  	_ =	shalt  }
0x82: {  	_ =	shalt  }
0x83: {  	_ =	shalt  }
0x84: {  	_ =	shalt  }
0x85: {  	_ =	shalt  }
0x86: {  	_ =	shalt  }
0x87: {  	_ =	shalt  }
.Lfunc_end0:
.L_simem_size_0:
called_computation_lowered:
.L_overlay_start_0:
0x88: {  	s2 =	sld [smem:$0x3FD9]  }
0x89: {  	s3 =	sld [smem:$0x3FFE];
	_ =	sdelay $0x1  }
0x8a: {  	s1 =	srdreg.scid  }
0x8b: {  	s0 =	sand.u32 $0x1, s1  }
0x8c: {  	s16 =	sshll.u32 s0, $0xA;
	s2 =	sadd.s32 s3, s2  }
0x8d: {  	s2 =	sadd.s32 s2, s16  }
0x8e: {  	[smem:$0x3FC6] =	sst s2  }
0x8f: {  	_ = 	snop  }
0x90: {  	(tm) =	ssettm $0x1  }
0x91: {  	s17 =	sld [smem:$0x3FFB];
	_ =	sdelay $0x3  }
0x92: {  	_ =	strace s17  }
0x93: {  	s2 =	sld [smem:$0x3FFC];
	_ =	sdelay $0x3  }
0x94: {  	_ =	strace s2  }
0x95: {  	s2 =	sld [smem:$0x3FFD];
	_ =	sdelay $0x3  }
0x96: {  	_ =	strace s2  }
0x97: {  	_ =	strace $0x8FFFFFFF  }
0x98: {  	s18 =	sld [smem:$0x3FDB];
	_ =	sdelay $0x1  }
0x99: {  	s19 =	simm.s32 $_scs_section_size  }
0x9a: {  	s4 =	simm.s32 $_size__tile_overlayer_lowered;
	s5 =	simm.s32 $_tile_overlayer_lowered  }
0x9b: {  	s22 =	simm.s32 $0x1BFF;
	s21 =	sshll.u32 s5, $0x1;
	s2 =	sadd.s32 s19, s18  }
0x9c: {  	s6 =	simm.s32 $0x0;
	s20 =	sshll.u32 s4, $0x1;
	s4 =	sadd.s32 s21, s2  }
0x9d: {  	[timem:s6], [sflag:s22] =	dma.local [hbm:s4], s20  }
0x9e: {  	_ =	swait.ge [sflag:s22], s20  }
0x9f: {  	s3 =	ssub.s32 $0x0, s20;
	[sflag:s22] =	ssyncset.done $0x0  }
0xa0: {  	[sflag:s22] =	ssyncadd.s32 s3;
	_ =	sdelay $0x1  }
0xa1: {  	s23 =	simm.s32 $0x1B8B  }
0xa2: {  	_ =	swait.ge [sflag:s23], $0x1  }
0xa3: {  	[sflag:s23] =	ssyncset.done $0x0  }
0xa4: {  	s25 =	simm.s32 $0x1B8E;
	s24 =	sld [smem:$0x3FFE];
	[sflag:s23] =	ssyncadd.s32 $0xFFFFFFFF  }
0xa5: {  	s26 =	simm.s32 $execute0_lowered;
	[smem:$0x3FD2] =	sst s25  }
0xa6: {  	s4 =	sshll.u32 s26, $0x1;
	_ =	strace $0x80000046;
	[dreg:$0x1] =	wrdreg $0xFFFFFFFF  }
0xa7: {  	s28 =	simm.s32 $_size_execute0_lowered;
	s2 =	sadd.s32 s2, s4;
	[dreg:$0x0] =	wrdreg $0x0  }
0xa8: {  	s4 =	sshll.u32 s28, $0x1;
	[dreg:$0x2] =	wrdreg s2  }
0xa9: {  	[dreg:$0x3] =	wrdreg s4  }
0xaa: {  	[dreg:$0x4] =	wrdreg $0xC0  }
0xab: {  	_ =	task [dreg:s6], $0x5FFFF  }
0xac: {  	[dreg:$0x1] =	wrdreg $0xFFFFFFFF  }
0xad: {  	[dreg:$0x0] =	wrdreg $0x60  }
0xae: {  	[dreg:$0x2] =	wrdreg s24  }
0xaf: {  	[dreg:$0x3] =	wrdreg $0x7B000  }
0xb0: {  	[dreg:$0x4] =	wrdreg $0x9  }
0xb1: {  	_ =	task.clear_ibuf [dreg:s6], $0x5FFFF;
	_ =	strace $0x90000046  }
0xb2: {  	s29 =	simm.s32 $0x9;
	_ =	strace $0x80000048  }
0xb3: {  	_ =	swait.ge [sflag:s29], $0x1  }
0xb4: {  	[sflag:s29] =	ssyncadd.s32 $0xFFFFFFFF  }
0xb5: {  	_ =	strace $0x90000048  }
0xb6: {  	_ =	sfence  }
0xb7: {  	s30 =	sld [smem:$0x0];
	_ =	sdelay $0x2  }
0xb8: {  	s31 =	sshll.u32 s1, $0xD;
	s1 =	sshrl.u32 s1, $0x2  }
0xb9: {  	s3 =	sand.u32 $0x4000, s31;
	s1 =	sadd.s32 s1, s30  }
0xba: {  	s0 =	sor.u32 s3, s0;
	s1 =	sshll.u32 s1, $0x11  }
0xbb: {  	s0 =	sor.u32 s1, s0  }
0xbc: {  	s0 =	sadd.s32 $0x8F2B, s0  }
0xbd: {  	[sflag:s0] =	ssyncadd.remote.s32 $0x1  }
0xbe: {  	_ =	sfence.sel $0xFFFF  }
0xbf: {  	[dreg:$0x0] =	wrdreg $0xFFFFFFFF;
	(pc) =	sbr.abs _section_cstart, $3  }
0xc0: {  	[dreg:$0x1] =	wrdreg $0xFFFFFFFF  }
0xc1: {  	_ =	task.clear_ibuf [dreg:s6], $0x2FFFF;
	_ =	strace $0x9FFFFFFF  }
0xc2: {  	(tm) =	ssettm $0x7FFFFFFF  }
0xc3: {  	_ =	shalt  }
tec
execute0_lowered:
.L_overlay_start_1:
0x0: {  	(tag) =	ssettag $0x1  }
0x1: {  	s6 =	rddreg [dreg:$0x0]  }
0x2: {  	s5 =	rddreg [dreg:$0x1];
	s2 =	simm.s32 $0x0  }
0x3: {  	[smem:$0x7FF] =	sst s2  }
0x4: {  	s1 =	srdreg.scid;
	s0 =	rddreg [dreg:$0x2];
	v0 =	vimm.f32 $6.400000000e+01;
	_ =	strace $0x80000047  }
0x5: {  	s7 =	sand.u32 $0x1, s1;
	(erf) = vrcp.f32 v0  }
0x6: {  	s1 =	stileid.u32;
	s3 =	smul.u32 $0x30000, s7  }
0x7: {  	s11 =	simm.s32 $0x7280;
	s4 =	smul.u32 $0x3000, s1  }
0x8: {  	s12 =	simm.s32 $0x7300;
	s13 =	simm.s32 $0x6000;
	s14 =	simm.s32 $0x0  }
0x9: {  	s29 =	ssub.s32 $0x2, s7;
	p0 =	seq.s32 s7, $0x1;
	s3 =	sadd.s32 s4, s3  }
0xa: {  	s7 =	sshll.u32 s7, $0xB;
	s10 =	smul.u32 $0x250, s1;
	s3 =	sshrl.u32 s3, $0x3  }
0xb: {  	s31 =	sshll.u32 s1, $0x7;
	s30 =	sshrl.u32 s29, $0x1;
	s8 =	sadd.s32 s3, s6  }
0xc: {  	s3 =	sadd.s32 $0x1000, s8;
	s4 =	sadd.s32 $0xD000, s8;
	s8 =	simm.s32 $0x1B600  }
0xd: {  	vm0 =	vcmask $0xF0C;
	s5 =	sadd.s32 s7, s5;
	s9 =	ssub.s32 s29, s30;
	s8 =	simm.s32 @!p0 $0x19000  }
0xe: {  	vm1 =	vcmask $0xB08;
	vm2 =	vmmov $0x1;
	v23 =	vimm.f32 $0.0e+00;
	s7 =	smax.u32 s9, $0x1;
	s9 =	simm.s32 $0x1;
	s8 =	sadd.s32 s8, s6;
	v0 =	vpop (erf)  }
0xf: {  	vm3 =	vcmask $0x308;
	vm4 =	vcmask $0x70C;
	vm5 =	vcmask $0xB10;
	s6 =	sadd.s32 s31, s5;
	s8 =	sadd.s32 s8, s10;
	s10 =	simm.s32 $0x3000;
	[tilespmem:$0x1FFF0] =	vst v0  }
.LBB2_1:
0x10: {  	[tilespmem:s2], [sflag:$0x1] =	stream.linear.gather [hbm4b:s3+s2], $0x3000, $0x38;
	[tilespmem:$0x7B20] =	vst v63  }
0x11: {  	_ =	swait.ge [sflag:s9], $0x3000  }
0x12: {  	[sflag:s9] =	ssyncset.done $0x0  }
0x13: {  	[sflag:s9] =	ssyncadd.s32 $0xFFFFD000  }
0x14: {  	[tilespmem:s10], [sflag:$0x1] =	stream.linear.gather [hbm4b:s4+s2], $0x3000, $0x38;
	[tilespmem:$0x7B20] =	vst v63  }
0x15: {  	_ =	swait.ge [sflag:s9], $0x3000  }
0x16: {  	[sflag:s9] =	ssyncset.done $0x0  }
0x17: {  	s16 =	simm.s32 $0x0;
	[sflag:s9] =	ssyncadd.s32 $0xFFFFD000  }
0x18: {  	v3 =	vimm.f32 $+Inf;
	v5 =	vld [tilespmem:s16+$0x3000]  }
0x19: {  	v4 =	vimm.f32 $-Inf;
	s15 =	simm.s32 $0x40;
	v6 =	vimm.f32 $+Inf;
	v8 =	vimm.f32 $-Inf;
	v7 =	vld [tilespmem:s16+$0x0]  }
.LBB2_2:
0x1a: {  	p0 =	sne.s32 s15, $0xBFC0  }
.Ltmp0:
0x1b: {  	_ = 	snop;
	(pc) =	sbr.rel @p0 .LBB2_2-.Ltmp0, $4  }
0x1c: {  	_ = 	snop  }
0x1d: {  	s16 =	sshra.s32 s15, $0x2;
	s15 =	sadd.s32 $0x40, s15;
	v3 =	vmin.f32 v3, v5;
	v4 =	vmax.f32 v4, v5  }
0x1e: {  	v5 =	vld [tilespmem:s16+$0x3000];
	v6 =	vmin.f32 v6, v7;
	v8 =	vmax.f32 v8, v7  }
0x1f: {  	v7 =	vld [tilespmem:s16+$0x0]  }
0x20: {  	_ =	sdelay $0x3  }
0x21: {  	v6 =	vmin.f32 v6, v7  }
0x22: {  	v7 =	vmax.f32 v8, v7;
	(xrf0) =	vmin.scan.msk.f32 $0xffff, v6  }
0x23: {  	v3 =	vmin.f32 v3, v5;
	(xrf0) =	vmax.scan.msk.f32 $0xffff, v7  }
0x24: {  	v4 =	vmax.f32 v4, v5;
	(xrf0) =	vmin.scan.msk.f32 $0xffff, v3  }
0x25: {  	(xrf0) =	vmax.scan.msk.f32 $0xffff, v4;
	_ =	sdelay $0x2  }
0x26: {  	v3, _, _ =	vpop (xrf0)  }
0x27: {  	v4, _, _ =	vpop (xrf0)  }
0x28: {  	v5, _, _ =	vpop (xrf0)  }
0x29: {  	(v2sf) =	vpush v4, $0xF;
	v4, _, _ =	vpop (xrf0)  }
0x2a: {  	(v2sf) =	vpush v4, $0xF;
	_ =	sdelay $0xd  }
0x2b: {  	s15 =	spop (v2sf)  }
0x2c: {  	s16 =	spop (v2sf)  }
0x2d: {  	s16 =	ssub.f32 $0.0e+00, s16;
	_ =	sdelay $0x1  }
0x2e: {  	v5 =	vbroadcast v5, $0xF;
	v4 =	vmov s16  }
0x2f: {  	v0 =	vlaneseq.u32;
	s15 =	ssub.f32 $0.0e+00, s15;
	v4 =	vnsel vm0, $0x7F800000, v4  }
0x30: {  	vm6 =	veq.s32 v0, $0x1;
	v3 =	vbroadcast v3, $0xF;
	v4 =	vsel vm1, v5, v4  }
0x31: {  	v4 =	vsel vm6, s15, v4  }
0x32: {  	v3 =	vsel vm2, v3, v4  }
0x33: {  	[tilespmem:$0x7280] =	vst v3  }
0x34: {  	[spmem:s6] =	stream.linear.scatter [tilespmem:s11], [sflag:$0x1], $0x80, $0x38;
	[tilespmem:$0x7B20] =	vst v63  }
0x35: {  	_ =	swait.ge [sflag:s9], $0x80  }
0x36: {  	[sflag:s9] =	ssyncset.done $0x0  }
0x37: {  	[sflag:s9] =	ssyncadd.s32 $0xFFFFFF80  }
0x38: {  	[bflag:$0x0] =	sbarrier.arrive $0xFFFF  }
0x39: {  	[tilespmem:s12], [sflag:$0x1] =	stream.linear.gather [spmem:s5], $0x800, $0x38;
	[tilespmem:$0x7B20] =	vst v63  }
0x3a: {  	_ =	swait.ge [sflag:s9], $0x800  }
0x3b: {  	[sflag:s9] =	ssyncset.done $0x0  }
0x3c: {  	[sflag:s9] =	ssyncadd.s32 $0xFFFFF800  }
0x3d: {  	v3 =	vld [tilespmem:$0x7300]  }
0x3e: {  	v4 =	vld [tilespmem:$0x7380]  }
0x3f: {  	v5 =	vld [tilespmem:$0x7400]  }
0x40: {  	v6 =	vld [tilespmem:$0x7480]  }
0x41: {  	v7 =	vld [tilespmem:$0x7500]  }
0x42: {  	v8 =	vld [tilespmem:$0x7580]  }
0x43: {  	v9 =	vld [tilespmem:$0x7600]  }
0x44: {  	v10 =	vld [tilespmem:$0x7680]  }
0x45: {  	v11 =	vld [tilespmem:$0x7700]  }
0x46: {  	v12 =	vld [tilespmem:$0x7780]  }
0x47: {  	v13 =	vld [tilespmem:$0x7800]  }
0x48: {  	v14 =	vld [tilespmem:$0x7880]  }
0x49: {  	v15 =	vld [tilespmem:$0x7900]  }
0x4a: {  	v16 =	vld [tilespmem:$0x7980]  }
0x4b: {  	v17 =	vld [tilespmem:$0x7A00]  }
0x4c: {  	s16 =	simm.s32 $0x40;
	s15 =	simm.s32 $0x0;
	v18 =	vld [tilespmem:$0x7A80]  }
.LBB2_4:
0x4d: {  	p0 =	sne.s32 s16, $0x49C0;
	[tilespmem:s15+$0x6000] =	vst v23;
	s15 =	smov.u32 s16;
	s16 =	sadd.s32 $0x40, s16  }
.Ltmp1:
0x4e: {  	(pc) =	sbr.rel @p0 .LBB2_4-.Ltmp1, $2  }
0x4f: {  	_ =	sdelay $0x2  }
0x50: {  	s15 =	sshra.s32 s15, $0x2  }
0x51: {  	v3 =	vmin.f32 v3, v4  }
0x52: {  	v3 =	vmin.f32 v3, v5  }
0x53: {  	v3 =	vmin.f32 v3, v6  }
0x54: {  	v3 =	vmin.f32 v3, v7  }
0x55: {  	v3 =	vmin.f32 v3, v8  }
0x56: {  	v3 =	vmin.f32 v3, v9  }
0x57: {  	v3 =	vmin.f32 v3, v10  }
0x58: {  	v3 =	vmin.f32 v3, v11  }
0x59: {  	v3 =	vmin.f32 v3, v12  }
0x5a: {  	v3 =	vmin.f32 v3, v13  }
0x5b: {  	v3 =	vmin.f32 v3, v14  }
0x5c: {  	v3 =	vmin.f32 v3, v15  }
0x5d: {  	v3 =	vmin.f32 v3, v16  }
0x5e: {  	v3 =	vmin.f32 v3, v17  }
0x5f: {  	v3 =	vmin.f32 v3, v18  }
0x60: {  	v52 =	vnsel vm2, $0x7F800000, v3  }
0x61: {  	v53 =	vsel vm3, $0x7F800000, v3;
	(xrf0) =	vmin.scan.msk.f32 $0xffff, v52  }
0x62: {  	v54 =	vsel vm4, $0x7F800000, v3;
	(xrf0) =	vmin.scan.msk.f32 $0xffff, v53  }
0x63: {  	v3 =	vsel vm5, $0x7F800000, v3;
	(xrf0) =	vmin.scan.msk.f32 $0xffff, v54  }
0x64: {  	(xrf0) =	vmin.scan.msk.f32 $0xffff, v3;
	_ =	sdelay $0x2  }
0x65: {  	v55, _, _ =	vpop (xrf0)  }
0x66: {  	v56, _, _ =	vpop (xrf0)  }
0x67: {  	v57, _, _ =	vpop (xrf0)  }
0x68: {  	v3 =	vadd.f32 $0.0e+00, v55;
	v4 =	vsub.f32 $0.0e+00, v56;
	v58, _, _ =	vpop (xrf0)  }
0x69: {  	v0 =	vld [tilespmem:$0x1FFF0];
	v5 =	vadd.f32 $0.0e+00, v57;
	v6 =	vsub.f32 $0.0e+00, v58  }
0x6a: {  	v4 =	vsub.f32 v4, v3  }
0x6b: {  	v6 =	vsub.f32 v6, v5  }
0x6c: {  	v4 =	vbroadcast v4, $0xF  }
0x6d: {  	v6 =	vbroadcast v6, $0xF  }
0x6e: {  	v4 =	vmul.f32 v4, v0  }
0x6f: {  	v6 =	vmul.f32 v6, v0  }
0x70: {  	(erf) = vrcp.f32 v4  }
0x71: {  	(erf) = vrcp.f32 v6;
	_ =	sdelay $0x2  }
0x72: {  	v59 =	vbroadcast v3, $0xF;
	v4 =	vadd.f32 v4, v4  }
0x73: {  	v5 =	vbroadcast v5, $0xF;
	v6 =	vadd.f32 v6, v6  }
0x74: {  	v61 =	vsub.f32 v59, v4  }
0x75: {  	[tilespmem:s15+$0x6000] =	vst v23;
	v62 =	vsub.f32 v5, v6  }
0x76: {  	[tilespmem:$0x1FFC0] =	vst v61  }
0x77: {  	[tilespmem:$0x1FFD0] =	vst v62;
	v60 =	vpop (erf)  }
0x78: {  	[tilespmem:$0x1FFB0] =	vst v60;
	v63 =	vpop (erf)  }
0x79: {  	s15 =	simm.s32 $0xFFFFFFF8;
	s16 =	simm.s32 $0x40;
	s17 =	simm.s32 $0x3040;
	[tilespmem:$0x1FFE0] =	vst v63  }
.LBB2_6:
0x7a: {  	v7 =	vld [tilespmem:s16+$0xFFFFFFC0]  }
0x7b: {  	v8 =	vld [tilespmem:s17+$0xFFFFFFC0]  }
0x7c: {  	v3 =	vld [tilespmem:$0x1FFC0]  }
0x7d: {  	v2 =	vld [tilespmem:$0x1FFD0]  }
0x7e: {  	v1 =	vld [tilespmem:$0x1FFB0]  }
0x7f: {  	v4 =	vld [tilespmem:$0x1FFE0];
	_ =	sdelay $0x1  }
0x80: {  	v7 =	vsub.f32 v7, v3  }
0x81: {  	v8 =	vsub.f32 v8, v2  }
0x82: {  	v7 =	vmul.f32 v7, v1  }
0x83: {  	v8 =	vmul.f32 v8, v4  }
0x84: {  	v9 =	vtrunc.f32 v7  }
0x85: {  	v10 =	vtrunc.f32 v8;
	v9 =	vcvt.f32.s32 v9  }
0x86: {  	v10 =	vcvt.f32.s32 v10  }
0x87: {  	v55 =	vld [tilespmem:s16+$0xFFFFFFD0];
	vm6 =	vgt.s32 v9, $0x2  }
0x88: {  	v24 =	vld [tilespmem:s16+$0xFFFFFFE0];
	v9 =	vnsel vm6, $0x2, v9;
	vm6 =	vgt.s32 v10, $0x2  }
0x89: {  	v9 =	vmin.u32 v9, $0x41;
	v10 =	vnsel vm6, $0x2, v10  }
0x8a: {  	v11 =	vcvt.s32.f32 v9;
	v10 =	vmin.u32 v10, $0x41  }
0x8b: {  	v53 =	vcvt.s32.f32 v10  }
0x8c: {  	v59 =	vld [tilespmem:s17+$0xFFFFFFD0];
	v62 =	vsub.f32 v55, v3;
	v7 =	vsub.f32 v7, v11  }
0x8d: {  	v24 =	vsub.f32 v24, v3;
	v8 =	vsub.f32 v8, v53  }
0x8e: {  	v37 =	vmul.f32 v62, v1;
	v12 =	vsub.f32 $1.000000000e+00, v7  }
0x8f: {  	v24 =	vmul.f32 v24, v1;
	v54 =	vmul.f32 v7, v7;
	v14 =	vsub.f32 $1.000000000e+00, v8  }
0x90: {  	v15 =	vmul.f32 v8, v8;
	v13 =	vmul.f32 v12, v12  }
0x91: {  	v38 =	vsub.f32 v59, v2;
	v7 =	vmul.f32 v54, v7;
	v17 =	vmul.f32 v14, v14  }
0x92: {  	v9 =	vmul.u32 $0x44, v9;
	v8 =	vmul.f32 v15, v8;
	v12 =	vmul.f32 v13, v12  }
0x93: {  	v16 =	vmul.f32 $5.000000000e-01, v7;
	v21 =	vmul.f32 $1.666666720e-01, v7  }
0x94: {  	v7 =	vadd.s32 v10, v9;
	v10 =	vmul.f32 v38, v4;
	v14 =	vmul.f32 v17, v14  }
0x95: {  	v56 =	vmul.f32 $5.000000000e-01, v8;
	v8 =	vmul.f32 $1.666666720e-01, v8;
	v47 =	vadd.s32 $0xFFFFFFBB, v7  }
0x96: {  	v41 =	vadd.s32 $0xFFFFFFBC, v7;
	v40 =	vadd.s32 $0xFFFFFFBD, v7;
	v35 =	vadd.s32 $0xFFFFFFBE, v7  }
0x97: {  	v27 =	vadd.s32 $0xFFFFFFFF, v7;
	v22 =	vadd.s32 $0x1, v7;
	v0 =	vadd.s32 $0x2, v7  }
0x98: {  	v29 =	vadd.s32 $0x43, v7;
	v18 =	vmul.f32 $5.000000000e-01, v12;
	v12 =	vmul.f32 $1.666666720e-01, v12  }
0x99: {  	v11 =	vsub.f32 v16, v54;
	v42 =	vtrunc.f32 v10;
	v57 =	vmul.f32 $5.000000000e-01, v14  }
0x9a: {  	v58 =	vsub.f32 v56, v15;
	v61 =	vmul.f32 $1.666666720e-01, v14;
	v43 =	vcvt.f32.s32 v42  }
0x9b: {  	v13 =	vsub.f32 v18, v13;
	v19 =	vadd.f32 $6.666666860e-01, v11;
	v11 =	vtrunc.f32 v37  }
0x9c: {  	[tilespmem:$0x1FEE0] =	vst v0;
	v49 =	vmul.f32 v8, v12;
	v0 =	vmovc v3;
	v3 =	vtrunc.f32 v24;
	v60 =	vsub.f32 v57, v17  }
0x9d: {  	v18 =	vadd.f32 $6.666666860e-01, v58;
	v51 =	vmul.f32 v61, v12;
	v39 =	vcvt.f32.s32 v11  }
0x9e: {  	v53 =	vmul.f32 v61, v21;
	v58 =	vmul.f32 v8, v21;
	v20 =	vadd.f32 $6.666666860e-01, v13  }
0x9f: {  	v28 =	vmul.f32 v61, v19;
	v30 =	vmul.f32 v19, v8;
	vm6 =	vgt.s32 v39, $0x2  }
0xa0: {  	v63 =	vadd.f32 $6.666666860e-01, v60;
	v13 =	vnsel vm6, $0x2, v39;
	vm6 =	vgt.s32 v43, $0x2  }
0xa1: {  	v48 =	vmul.f32 v18, v12;
	v54 =	vmin.u32 v13, $0x41;
	v14 =	vnsel vm6, $0x2, v43  }
0xa2: {  	v25 =	vmul.f32 v18, v19;
	v44 =	vcvt.s32.f32 v54;
	v55 =	vmin.u32 v14, $0x41  }
0xa3: {  	v33 =	vadd.s32 $0x44, v7;
	v31 =	vmul.f32 v20, v61;
	v50 =	vcvt.s32.f32 v55  }
0xa4: {  	v52 =	vmul.f32 v20, v8;
	v45 =	vmul.f32 v63, v12;
	v9 =	vsub.f32 v37, v44  }
0xa5: {  	v32 =	vmul.f32 v63, v19;
	v19 =	vmul.f32 v18, v20;
	v10 =	vsub.f32 v10, v50  }
0xa6: {  	v46 =	vmul.f32 v63, v20;
	v18 =	vmul.f32 v18, v21;
	v56 =	vsub.f32 $1.000000000e+00, v9  }
0xa7: {  	v15 =	vmul.f32 v63, v21;
	v20 =	vmul.f32 v9, v9;
	v60 =	vsub.f32 $1.000000000e+00, v10  }
0xa8: {  	v42 =	vadd.s32 $0x88, v7;
	v21 =	vmul.f32 v10, v10;
	v57 =	vmul.f32 v56, v56  }
0xa9: {  	v11 =	vadd.s32 $0x8A, v7;
	v59 =	vmul.f32 v20, v9;
	v34 =	vmul.f32 v60, v60  }
0xaa: {  	v38 =	vld [tilespmem:s17+$0xFFFFFFE0];
	v54 =	vmul.u32 $0x44, v54;
	v10 =	vmul.f32 v21, v10;
	v17 =	vmul.f32 v57, v56  }
0xab: {  	[tilespmem:$0x1FEF0] =	vst v46;
	v46 =	vadd.s32 $0x46, v7;
	v26 =	vmul.f32 $5.000000000e-01, v59;
	v56 =	vmul.f32 $1.666666720e-01, v59  }
0xac: {  	v37 =	vadd.s32 $0x45, v7;
	v9 =	vmul.f32 v34, v60;
	v61 =	vmul.f32 $5.000000000e-01, v10  }
0xad: {  	[tilespmem:$0x1FF20] =	vst v58;
	v44 =	vadd.s32 $0x87, v7;
	v58 =	vmul.f32 $1.666666720e-01, v10;
	v36 =	vmul.f32 $1.666666720e-01, v17  }
0xae: {  	v20 =	vsub.f32 v26, v20;
	v17 =	vmul.f32 $5.000000000e-01, v17;
	v26 =	vcvt.f32.s32 v3  }
0xaf: {  	v39 =	vmul.f32 $5.000000000e-01, v9;
	v62 =	vsub.f32 v61, v21;
	v21 =	vsub.f32 v38, v2  }
0xb0: {  	v9 =	vmul.f32 $1.666666720e-01, v9;
	v20 =	vadd.f32 $6.666666860e-01, v20;
	v16 =	vsub.f32 v17, v57  }
0xb1: {  	vm6 =	vgt.s32 v26, $0x2;
	v38 =	vmul.f32 v58, v36;
	v63 =	vsub.f32 v39, v34  }
0xb2: {  	v14 =	vmovc v4;
	v3 =	vld [tilespmem:s16+$0xFFFFFFF0];
	v8 =	vadd.f32 $6.666666860e-01, v62;
	v10 =	vmul.f32 v21, v4;
	v4 =	vnsel vm6, $0x2, v26  }
0xb3: {  	[tilespmem:$0x1FF10] =	vst v53;
	v53 =	vmul.f32 v9, v36;
	v59 =	vmin.u32 v4, $0x41;
	v39 =	vmul.f32 v9, v20  }
0xb4: {  	[tilespmem:$0x1FF00] =	vst v52;
	v60 =	vadd.f32 $6.666666860e-01, v16;
	v26 =	vmul.f32 v20, v58;
	v52 =	vmul.f32 v8, v36  }
0xb5: {  	v57 =	vadd.f32 $6.666666860e-01, v63;
	v21 =	vtrunc.f32 v10;
	v6 =	vcvt.s32.f32 v59  }
0xb6: {  	v55 =	vadd.s32 v55, v54;
	v5 =	vcvt.f32.s32 v21;
	v21 =	vmul.f32 v8, v60  }
0xb7: {  	v3 =	vsub.f32 v3, v0;
	v43 =	vmul.f32 v57, v36;
	v36 =	vmul.f32 v8, v20  }
0xb8: {  	v34 =	vmul.f32 v57, v20;
	v20 =	vsub.f32 v24, v6;
	v24 =	vmul.f32 v60, v9;
	v6 =	vld [tilespmem:s17+$0xFFFFFFF0]  }
0xb9: {  	[tilespmem:v47+s13+$0x0] =	vst.idx.add.f32.msk $0xffff, v51;
	v16 =	vmul.f32 v57, v60;
	v9 =	vmul.f32 v9, v56;
	vm6 =	vgt.s32 v5, $0x2  }
0xba: {  	[tilespmem:v41+s13+$0x0] =	vst.idx.add.f32.msk $0xffff, v48;
	v57 =	vmul.f32 v57, v56;
	v3 =	vmul.f32 v3, v1;
	v17 =	vnsel vm6, $0x2, v5  }
0xbb: {  	v12 =	vmovc v2;
	[tilespmem:v40+s13+$0x0] =	vst.idx.add.f32.msk $0xffff, v45;
	v63 =	vsub.f32 $1.000000000e+00, v20;
	v61 =	vmin.u32 v17, $0x41;
	v17 =	vmul.f32 v60, v58  }
0xbc: {  	v13 =	vmovc v1;
	[tilespmem:v35+s13+$0x0] =	vst.idx.add.f32.msk $0xffff, v49;
	v50 =	vadd.s32 $0x89, v7;
	v60 =	vmul.f32 v20, v20;
	v62 =	vcvt.s32.f32 v61  }
0xbd: {  	[tilespmem:v27+s13+$0x0] =	vst.idx.add.f32.msk $0xffff, v28;
	v1 =	vtrunc.f32 v3;
	v2 =	vmul.f32 v63, v63;
	v6 =	vsub.f32 v6, v12  }
0xbe: {  	v62 =	vsub.f32 v10, v62;
	v10 =	vmul.f32 v8, v56;
	v8 =	vmul.f32 v60, v20  }
0xbf: {  	v47 =	vadd.s32 $0xFFFFFFFF, v55;
	[tilespmem:v7+s13+$0x0] =	vst.idx.add.f32.msk $0xffff, v25;
	v63 =	vmul.f32 v2, v63;
	v56 =	vmul.f32 v58, v56  }
0xc0: {  	v25 =	vld [tilespmem:$0x1FEE0];
	[tilespmem:$0x1FF30] =	vst v9;
	v6 =	vmul.f32 v6, v14;
	v4 =	vsub.f32 $1.000000000e+00, v62;
	v9 =	vmul.f32 $5.000000000e-01, v8  }
0xc1: {  	v59 =	vmul.u32 $0x44, v59;
	[tilespmem:$0x1FF40] =	vst v10;
	v5 =	vmul.f32 v62, v62;
	v10 =	vmul.f32 $5.000000000e-01, v63  }
0xc2: {  	v20 =	vadd.s32 $0xFFFFFFBB, v55;
	v63 =	vmul.f32 $1.666666720e-01, v63;
	v58 =	vmul.f32 v4, v4  }
0xc3: {  	v8 =	vmul.f32 $1.666666720e-01, v8;
	v54 =	vsub.f32 v9, v60;
	v62 =	vmul.f32 v5, v62  }
0xc4: {  	v2 =	vsub.f32 v10, v2;
	v9 =	vcvt.f32.s32 v1;
	v4 =	vmul.f32 v58, v4  }
0xc5: {  	v10 =	vtrunc.f32 v6;
	v1 =	vadd.s32 $0xFFFFFFBC, v55;
	v60 =	vmul.f32 $5.000000000e-01, v62  }
0xc6: {  	[tilespmem:$0x1FF50] =	vst v57;
	v57 =	vmovc v0;
	v54 =	vadd.f32 $6.666666860e-01, v54;
	v2 =	vadd.f32 $6.666666860e-01, v2;
	v0 =	vmul.f32 $5.000000000e-01, v4  }
0xc7: {  	[tilespmem:v22+s13+$0x0] =	vst.idx.add.f32.msk $0xffff, v32;
	v62 =	vmul.f32 $1.666666720e-01, v62;
	vm6 =	vgt.s32 v9, $0x2;
	v5 =	vsub.f32 v60, v5  }
0xc8: {  	[tilespmem:v25+s13+$0x0] =	vst.idx.add.f32.msk $0xffff, v30;
	v60 =	vmul.f32 $1.666666720e-01, v4;
	v4 =	vnsel vm6, $0x2, v9;
	v0 =	vsub.f32 v0, v58  }
0xc9: {  	[tilespmem:v29+s13+$0x0] =	vst.idx.add.f32.msk $0xffff, v31;
	v9 =	vadd.s32 $0xFFFFFFBD, v55;
	v48 =	vmul.f32 v62, v63;
	v35 =	vmul.f32 v54, v62  }
0xca: {  	[tilespmem:v33+s13+$0x0] =	vst.idx.add.f32.msk $0xffff, v19;
	v19 =	vmul.f32 v62, v8;
	v58 =	vadd.f32 $6.666666860e-01, v0;
	v0 =	vcvt.f32.s32 v10  }
0xcb: {  	v41 =	vmin.u32 v4, $0x41;
	v5 =	vadd.f32 $6.666666860e-01, v5;
	v4 =	vmul.f32 v60, v63  }
0xcc: {  	[tilespmem:v20+s13+$0x0] =	vst.idx.add.f32.msk $0xffff, v53;
	v45 =	vcvt.s32.f32 v41;
	v28 =	vmul.f32 v2, v60;
	vm6 =	vgt.s32 v0, $0x2  }
0xcd: {  	v53 =	vld [tilespmem:s16+$0x0];
	v30 =	vmul.f32 v60, v8;
	v10 =	vadd.s32 $0xFFFFFFBE, v55;
	v0 =	vnsel vm6, $0x2, v0  }
0xce: {  	[tilespmem:v1+s13+$0x0] =	vst.idx.add.f32.msk $0xffff, v52;
	v51 =	vmul.f32 v5, v63;
	v27 =	vmul.f32 v5, v2;
	v0 =	vmin.u32 v0, $0x41  }
0xcf: {  	v40 =	vadd.s32 v61, v59;
	[tilespmem:v9+s13+$0x0] =	vst.idx.add.f32.msk $0xffff, v43;
	v49 =	vmul.f32 v58, v63;
	v61 =	vcvt.s32.f32 v0  }
0xd0: {  	[tilespmem:$0x1FFA0] =	vst v19;
	v63 =	vadd.s32 $0x1, v55;
	v7 =	vmul.f32 v58, v2;
	v2 =	vmul.f32 v2, v62;
	v62 =	vld [tilespmem:$0x1FF10]  }
0xd1: {  	[tilespmem:$0x1FF70] =	vst v30;
	v33 =	vmul.f32 v58, v8;
	v61 =	vsub.f32 v6, v61;
	v6 =	vmul.f32 v58, v54;
	v58 =	vld [tilespmem:$0x1FEF0]  }
0xd2: {  	v59 =	vsub.f32 v3, v45;
	[tilespmem:v10+s13+$0x0] =	vst.idx.add.f32.msk $0xffff, v38  }
0xd3: {  	v3 =	vmul.f32 v60, v54;
	v45 =	vmul.f32 v5, v54;
	[tilespmem:v47+s13+$0x0] =	vst.idx.add.f32.msk $0xffff, v39;
	v54 =	vadd.s32 $0x2, v55  }
0xd4: {  	v22 =	vadd.s32 $0x43, v55;
	[tilespmem:v55+s13+$0x0] =	vst.idx.add.f32.msk $0xffff, v36  }
0xd5: {  	v32 =	vadd.s32 $0x44, v55;
	v31 =	vmul.f32 v5, v8;
	[tilespmem:v63+s13+$0x0] =	vst.idx.add.f32.msk $0xffff, v34  }
0xd6: {  	v30 =	vadd.s32 $0x45, v55;
	[tilespmem:v37+s13+$0x0] =	vst.idx.add.f32.msk $0xffff, v58  }
0xd7: {  	v60 =	vadd.s32 $0x46, v55;
	[tilespmem:$0x1FF80] =	vst v31;
	v58 =	vld [tilespmem:$0x1FF00]  }
0xd8: {  	[tilespmem:v54+s13+$0x0] =	vst.idx.add.f32.msk $0xffff, v26  }
0xd9: {  	[tilespmem:v22+s13+$0x0] =	vst.idx.add.f32.msk $0xffff, v24  }
0xda: {  	[tilespmem:v32+s13+$0x0] =	vst.idx.add.f32.msk $0xffff, v21  }
0xdb: {  	[tilespmem:v30+s13+$0x0] =	vst.idx.add.f32.msk $0xffff, v16  }
0xdc: {  	v29 =	vadd.s32 $0x88, v55;
	v19 =	vadd.s32 $0x8A, v55;
	[tilespmem:v60+s13+$0x0] =	vst.idx.add.f32.msk $0xffff, v17  }
0xdd: {  	v5 =	vadd.s32 $0x87, v55;
	v31 =	vadd.s32 $0x89, v55;
	[tilespmem:$0x1FF90] =	vst v33;
	v33 =	vsub.f32 $1.000000000e+00, v59;
	v60 =	vld [tilespmem:$0x1FF30]  }
0xde: {  	v8 =	vmul.f32 v59, v59;
	v55 =	vsub.f32 v53, v57;
	v25 =	vsub.f32 $1.000000000e+00, v61;
	[tilespmem:v46+s13+$0x0] =	vst.idx.add.f32.msk $0xffff, v58  }
0xdf: {  	v46 =	vmul.f32 v33, v33;
	v58 =	vmul.f32 v61, v61;
	[tilespmem:v44+s13+$0x0] =	vst.idx.add.f32.msk $0xffff, v62  }
0xe0: {  	v44 =	vmul.f32 v8, v59;
	v62 =	vmul.f32 v25, v25;
	[tilespmem:v42+s13+$0x0] =	vst.idx.add.f32.msk $0xffff, v18  }
0xe1: {  	v1 =	vadd.s32 $0x1, v40;
	v18 =	vmul.f32 v46, v33;
	v33 =	vmul.f32 v58, v61;
	[tilespmem:v50+s13+$0x0] =	vst.idx.add.f32.msk $0xffff, v15  }
0xe2: {  	v41 =	vmul.u32 $0x44, v41;
	v15 =	vmul.f32 v62, v25;
	v37 =	vmul.f32 $5.000000000e-01, v44;
	v25 =	vld [tilespmem:$0x1FF20]  }
0xe3: {  	v36 =	vmul.f32 v55, v13;
	v59 =	vadd.s32 $0xFFFFFFBB, v40;
	v42 =	vadd.s32 $0xFFFFFFBC, v40  }
0xe4: {  	v20 =	vmul.f32 $5.000000000e-01, v33;
	v8 =	vsub.f32 v37, v8;
	v37 =	vmul.f32 $5.000000000e-01, v15  }
0xe5: {  	v50 =	vadd.s32 $0xFFFFFFBD, v40;
	[tilespmem:v5+s13+$0x0] =	vst.idx.add.f32.msk $0xffff, v60;
	v10 =	vmul.f32 $1.666666720e-01, v15;
	v15 =	vadd.s32 v0, v41  }
0xe6: {  	[tilespmem:$0x1FF60] =	vst v2;
	v20 =	vsub.f32 v20, v58;
	v26 =	vadd.s32 $0xFFFFFFBB, v15;
	v37 =	vsub.f32 v37, v62;
	v62 =	vld [tilespmem:s17+$0x0]  }
0xe7: {  	[tilespmem:v11+s13+$0x0] =	vst.idx.add.f32.msk $0xffff, v25;
	v11 =	vadd.s32 $0xFFFFFFBE, v40;
	v25 =	vmul.f32 $5.000000000e-01, v18;
	v18 =	vmul.f32 $1.666666720e-01, v18  }
0xe8: {  	v52 =	vadd.s32 $0x43, v40;
	v63 =	vtrunc.f32 v36;
	v22 =	vadd.s32 $0xFFFFFFBC, v15;
	[tilespmem:v59+s13+$0x0] =	vst.idx.add.f32.msk $0xffff, v4  }
0xe9: {  	v61 =	vadd.s32 $0xFFFFFFFF, v40;
	[tilespmem:v42+s13+$0x0] =	vst.idx.add.f32.msk $0xffff, v51;
	v20 =	vadd.f32 $6.666666860e-01, v20;
	v0 =	vmul.f32 v10, v18  }
0xea: {  	v43 =	vadd.s32 $0x46, v40;
	v32 =	vcvt.f32.s32 v63;
	v21 =	vadd.s32 $0xFFFFFFBD, v15;
	[tilespmem:v50+s13+$0x0] =	vst.idx.add.f32.msk $0xffff, v49  }
0xeb: {  	v2 =	vadd.s32 $0x88, v40;
	v34 =	vadd.f32 $6.666666860e-01, v37;
	v41 =	vmul.f32 v20, v18;
	[tilespmem:v26+s13+$0x0] =	vst.idx.add.f32.msk $0xffff, v0  }
0xec: {  	v39 =	vadd.s32 $0x89, v40;
	vm6 =	vgt.s32 v32, $0x2;
	v62 =	vsub.f32 v62, v12;
	[tilespmem:v11+s13+$0x0] =	vst.idx.add.f32.msk $0xffff, v48  }
0xed: {  	v47 =	vadd.s32 $0x8A, v40;
	v32 =	vnsel vm6, $0x2, v32;
	v24 =	vmul.f32 v34, v18;
	[tilespmem:v22+s13+$0x0] =	vst.idx.add.f32.msk $0xffff, v41  }
0xee: {  	v25 =	vsub.f32 v25, v46;
	v46 =	vadd.s32 $0x2, v40;
	v37 =	vmul.f32 v62, v14;
	[tilespmem:v61+s13+$0x0] =	vst.idx.add.f32.msk $0xffff, v3  }
0xef: {  	v32 =	vmin.u32 v32, $0x41;
	v38 =	vmul.f32 $1.666666720e-01, v44;
	v44 =	vadd.s32 $0x87, v40;
	[tilespmem:v21+s13+$0x0] =	vst.idx.add.f32.msk $0xffff, v24  }
0xf0: {  	v33 =	vmul.f32 $1.666666720e-01, v33;
	v8 =	vadd.f32 $6.666666860e-01, v8;
	[tilespmem:v40+s13+$0x0] =	vst.idx.add.f32.msk $0xffff, v45;
	v62 =	vtrunc.f32 v37  }
0xf1: {  	v58 =	vadd.s32 $0x44, v40;
	v16 =	vadd.s32 $0xFFFFFFBE, v15;
	[tilespmem:v1+s13+$0x0] =	vst.idx.add.f32.msk $0xffff, v6;
	v63 =	vcvt.f32.s32 v62  }
0xf2: {  	v17 =	vadd.s32 $0xFFFFFFFF, v15;
	v49 =	vadd.s32 $0x46, v15;
	v53 =	vmul.f32 v10, v8;
	v62 =	vld [tilespmem:$0x1FF40]  }
0xf3: {  	v5 =	vmul.f32 v20, v8;
	v9 =	vadd.f32 $6.666666860e-01, v25;
	[tilespmem:v46+s13+$0x0] =	vst.idx.add.f32.msk $0xffff, v35;
	vm6 =	vgt.s32 v63, $0x2  }
0xf4: {  	v18 =	vmul.f32 v33, v18;
	v25 =	vadd.s32 $0x45, v40;
	v30 =	vnsel vm6, $0x2, v63;
	v63 =	vld [tilespmem:$0x1FF50]  }
0xf5: {  	v11 =	vadd.s32 $0x43, v15;
	v54 =	vmul.f32 v9, v10;
	[tilespmem:v52+s13+$0x0] =	vst.idx.add.f32.msk $0xffff, v28;
	v30 =	vmin.u32 v30, $0x41  }
0xf6: {  	v60 =	vmul.f32 v34, v9;
	v3 =	vadd.s32 $0x44, v15;
	[tilespmem:v58+s13+$0x0] =	vst.idx.add.f32.msk $0xffff, v27;
	v55 =	vcvt.s32.f32 v30  }
0xf7: {  	v40 =	vadd.s32 $0x45, v15;
	v45 =	vadd.s32 $0x88, v15;
	v1 =	vadd.s32 $0x87, v15;
	[tilespmem:v29+s13+$0x0] =	vst.idx.add.f32.msk $0xffff, v62  }
0xf8: {  	v29 =	vmul.f32 v34, v8;
	v62 =	vmul.f32 v9, v33;
	v37 =	vsub.f32 v37, v55  }
0xf9: {  	v35 =	vadd.s32 $0x89, v15;
	[tilespmem:v31+s13+$0x0] =	vst.idx.add.f32.msk $0xffff, v63;
	v31 =	vmul.f32 v8, v33;
	v8 =	vcvt.s32.f32 v32  }
0xfa: {  	v63 =	vmul.f32 v10, v38;
	v10 =	vmul.f32 v20, v38;
	[tilespmem:v19+s13+$0x0] =	vst.idx.add.f32.msk $0xffff, v56;
	v59 =	vsub.f32 $1.000000000e+00, v37  }
0xfb: {  	v58 =	vld [tilespmem:$0x1FF60];
	v56 =	vmul.f32 v20, v9;
	v42 =	vmul.f32 v37, v37;
	v36 =	vsub.f32 v36, v8  }
0xfc: {  	[tilespmem:v16+s13+$0x0] =	vst.idx.add.f32.msk $0xffff, v18;
	v32 =	vmul.u32 $0x44, v32;
	v9 =	vmul.f32 v34, v38;
	v48 =	vmul.f32 v59, v59  }
0xfd: {  	[tilespmem:v17+s13+$0x0] =	vst.idx.add.f32.msk $0xffff, v53;
	v8 =	vmul.f32 v33, v38;
	v37 =	vmul.f32 v42, v37;
	v55 =	vsub.f32 $1.000000000e+00, v36  }
0xfe: {  	[tilespmem:v15+s13+$0x0] =	vst.idx.add.f32.msk $0xffff, v5;
	v19 =	vadd.s32 $0x1, v15;
	v20 =	vmul.f32 v36, v36;
	v33 =	vmul.f32 v48, v59  }
0xff: {  	[tilespmem:v25+s13+$0x0] =	vst.idx.add.f32.msk $0xffff, v7;
	v34 =	vadd.s32 $0x2, v15;
	v59 =	vmul.f32 $5.000000000e-01, v37;
	v38 =	vmul.f32 v55, v55  }
0x100: {  	v46 =	vadd.s32 $0x8A, v15;
	[tilespmem:v43+s13+$0x0] =	vst.idx.add.f32.msk $0xffff, v58;
	v30 =	vadd.s32 v30, v32;
	v36 =	vmul.f32 v20, v36  }
0x101: {  	v0 =	vadd.s32 $0xFFFFFFFF, v30;
	v42 =	vsub.f32 v59, v42;
	v59 =	vld [tilespmem:s17+$0x10];
	v4 =	vmul.f32 v38, v55  }
0x102: {  	v5 =	vadd.s32 $0x1, v30;
	v41 =	vadd.s32 $0x45, v30;
	v61 =	vmul.f32 $5.000000000e-01, v36;
	v55 =	vld [tilespmem:s16+$0x10]  }
0x103: {  	[tilespmem:v19+s13+$0x0] =	vst.idx.add.f32.msk $0xffff, v29;
	v29 =	vadd.s32 $0x2, v30;
	v7 =	vmul.f32 $1.666666720e-01, v33;
	v50 =	vmul.f32 $5.000000000e-01, v4  }
0x104: {  	[tilespmem:v34+s13+$0x0] =	vst.idx.add.f32.msk $0xffff, v31;
	v34 =	vadd.s32 $0x44, v30;
	v61 =	vsub.f32 v61, v20;
	v20 =	vmul.f32 $5.000000000e-01, v33  }
0x105: {  	v58 =	vld [tilespmem:$0x1FFA0];
	v27 =	vmul.f32 $1.666666720e-01, v36;
	v25 =	vadd.f32 $6.666666860e-01, v42;
	v38 =	vsub.f32 v50, v38  }
0x106: {  	[tilespmem:v11+s13+$0x0] =	vst.idx.add.f32.msk $0xffff, v54;
	v4 =	vmul.f32 $1.666666720e-01, v4;
	v20 =	vsub.f32 v20, v48;
	v6 =	vadd.f32 $6.666666860e-01, v61  }
0x107: {  	v36 =	vmul.f32 $1.666666720e-01, v37;
	v61 =	vsub.f32 v55, v57;
	v55 =	vsub.f32 v59, v12;
	v59 =	vld [tilespmem:$0x1FF70]  }
0x108: {  	v51 =	vmovc v13;
	[tilespmem:v3+s13+$0x0] =	vst.idx.add.f32.msk $0xffff, v56;
	v28 =	vadd.f32 $6.666666860e-01, v38;
	v20 =	vadd.f32 $6.666666860e-01, v20;
	v38 =	vmul.f32 v7, v4  }
0x109: {  	v37 =	vadd.s32 $0xFFFFFFBB, v30;
	[tilespmem:v40+s13+$0x0] =	vst.idx.add.f32.msk $0xffff, v60;
	v22 =	vmul.f32 v25, v6;
	v32 =	vmul.f32 v61, v13  }
0x10a: {  	v42 =	vadd.s32 $0xFFFFFFBC, v30;
	[tilespmem:v49+s13+$0x0] =	vst.idx.add.f32.msk $0xffff, v62;
	v33 =	vmul.f32 v55, v14;
	v13 =	vmul.f32 v20, v4  }
0x10b: {  	v3 =	vadd.s32 $0x43, v30;
	[tilespmem:v1+s13+$0x0] =	vst.idx.add.f32.msk $0xffff, v63;
	v21 =	vmul.f32 v20, v6;
	v61 =	vtrunc.f32 v32  }
0x10c: {  	v1 =	vadd.s32 $0x46, v30;
	v16 =	vmul.f32 v28, v7;
	[tilespmem:v44+s13+$0x0] =	vst.idx.add.f32.msk $0xffff, v59;
	v43 =	vcvt.f32.s32 v61  }
0x10d: {  	v52 =	vmovc v12;
	v12 =	vadd.s32 $0xFFFFFFBD, v30;
	v17 =	vmul.f32 v25, v28;
	v55 =	vtrunc.f32 v33;
	v44 =	vld [tilespmem:$0x1FF80]  }
0x10e: {  	v48 =	vld [tilespmem:$0x1FF90];
	v15 =	vmul.f32 v20, v28;
	v59 =	vcvt.f32.s32 v55;
	vm6 =	vgt.s32 v43, $0x2  }
0x10f: {  	v54 =	vld [tilespmem:s16+$0x20];
	v28 =	vmul.f32 v28, v36;
	v11 =	vmul.f32 v20, v27;
	v61 =	vnsel vm6, $0x2, v43  }
0x110: {  	[tilespmem:v45+s13+$0x0] =	vst.idx.add.f32.msk $0xffff, v10;
	v43 =	vmul.f32 v7, v6;
	vm6 =	vgt.s32 v59, $0x2;
	v6 =	vmul.f32 v6, v36  }
0x111: {  	v50 =	vmovc v14;
	[tilespmem:v35+s13+$0x0] =	vst.idx.add.f32.msk $0xffff, v9;
	v7 =	vmul.f32 v7, v27;
	v26 =	vmin.u32 v61, $0x41;
	v14 =	vnsel vm6, $0x2, v59  }
0x112: {  	[tilespmem:v2+s13+$0x0] =	vst.idx.add.f32.msk $0xffff, v44;
	v2 =	vmul.f32 v25, v4;
	v44 =	vcvt.s32.f32 v26;
	v14 =	vmin.u32 v14, $0x41  }
0x113: {  	v10 =	vadd.s32 $0x88, v30;
	v4 =	vmul.f32 v36, v4;
	[tilespmem:v39+s13+$0x0] =	vst.idx.add.f32.msk $0xffff, v48;
	v48 =	vcvt.s32.f32 v14  }
0x114: {  	v35 =	vadd.s32 $0x8A, v30;
	v25 =	vmul.f32 v25, v27;
	[tilespmem:v47+s13+$0x0] =	vst.idx.add.f32.msk $0xffff, v58;
	v47 =	vsub.f32 v32, v44  }
0x115: {  	[tilespmem:v46+s13+$0x0] =	vst.idx.add.f32.msk $0xffff, v8;
	v27 =	vmul.f32 v36, v27;
	v39 =	vadd.s32 $0xFFFFFFBE, v30;
	v53 =	vsub.f32 v33, v48  }
0x116: {  	[tilespmem:v37+s13+$0x0] =	vst.idx.add.f32.msk $0xffff, v38;
	v36 =	vadd.s32 $0x89, v30;
	v55 =	vsub.f32 $1.000000000e+00, v47;
	v58 =	vmul.f32 v47, v47  }
0x117: {  	v26 =	vmul.u32 $0x44, v26;
	[tilespmem:v42+s13+$0x0] =	vst.idx.add.f32.msk $0xffff, v2;
	v59 =	vsub.f32 $1.000000000e+00, v53;
	v33 =	vmul.f32 v53, v53  }
0x118: {  	v48 =	vadd.s32 $0x87, v30;
	[tilespmem:v12+s13+$0x0] =	vst.idx.add.f32.msk $0xffff, v13;
	v20 =	vmul.f32 v55, v55;
	v18 =	vmul.f32 v58, v47  }
0x119: {  	v56 =	vld [tilespmem:s17+$0x20];
	v13 =	vadd.s32 v14, v26;
	v61 =	vmul.f32 v59, v59;
	v19 =	vmul.f32 v33, v53  }
0x11a: {  	[tilespmem:v39+s13+$0x0] =	vst.idx.add.f32.msk $0xffff, v4;
	v4 =	vadd.s32 $0xFFFFFFBB, v13;
	v24 =	vmul.f32 v20, v55;
	v62 =	vmul.f32 $5.000000000e-01, v18  }
0x11b: {  	[tilespmem:v0+s13+$0x0] =	vst.idx.add.f32.msk $0xffff, v43;
	v0 =	vadd.s32 $0xFFFFFFBC, v13;
	v18 =	vmul.f32 $1.666666720e-01, v18;
	v32 =	vmul.f32 v61, v59  }
0x11c: {  	[tilespmem:v30+s13+$0x0] =	vst.idx.add.f32.msk $0xffff, v22;
	v22 =	vadd.s32 $0xFFFFFFBD, v13;
	v53 =	vmul.f32 $5.000000000e-01, v19;
	v37 =	vmul.f32 $1.666666720e-01, v19  }
0x11d: {  	[tilespmem:v5+s13+$0x0] =	vst.idx.add.f32.msk $0xffff, v21;
	v21 =	vadd.s32 $0xFFFFFFBE, v13;
	v63 =	vmul.f32 $5.000000000e-01, v24;
	v31 =	vsub.f32 v62, v58  }
0x11e: {  	v24 =	vmul.f32 $1.666666720e-01, v24;
	[tilespmem:v29+s13+$0x0] =	vst.idx.add.f32.msk $0xffff, v6;
	v55 =	vmul.f32 $5.000000000e-01, v32;
	v33 =	vsub.f32 v53, v33  }
0x11f: {  	v62 =	vmul.f32 $1.666666720e-01, v32;
	[tilespmem:v3+s13+$0x0] =	vst.idx.add.f32.msk $0xffff, v16;
	v20 =	vsub.f32 v63, v20;
	v63 =	vsub.f32 v56, v52  }
0x120: {  	v59 =	vadd.f32 $6.666666860e-01, v31;
	v46 =	vmul.f32 v37, v24;
	[tilespmem:v34+s13+$0x0] =	vst.idx.add.f32.msk $0xffff, v17;
	v58 =	vsub.f32 v55, v61  }
0x121: {  	v56 =	vadd.s32 $0x1, v13;
	v61 =	vsub.f32 v54, v57;
	v39 =	vmul.f32 v62, v24;
	[tilespmem:v41+s13+$0x0] =	vst.idx.add.f32.msk $0xffff, v15  }
0x122: {  	v60 =	vadd.f32 $6.666666860e-01, v33;
	v2 =	vmul.f32 v62, v18;
	v40 =	vmul.f32 v63, v50;
	[tilespmem:v1+s13+$0x0] =	vst.idx.add.f32.msk $0xffff, v28  }
0x123: {  	v41 =	vadd.s32 $0x45, v13;
	v3 =	vmul.f32 v62, v59;
	v8 =	vmul.f32 v59, v37;
	[tilespmem:v48+s13+$0x0] =	vst.idx.add.f32.msk $0xffff, v7  }
0x124: {  	v9 =	vadd.f32 $6.666666860e-01, v58;
	v38 =	vmul.f32 v61, v51;
	v42 =	vmul.f32 v60, v24;
	[tilespmem:v4+s13+$0x0] =	vst.idx.add.f32.msk $0xffff, v39  }
0x125: {  	v20 =	vadd.f32 $6.666666860e-01, v20;
	v49 =	vmul.f32 v60, v59;
	v7 =	vmul.f32 v60, v18;
	[tilespmem:v10+s13+$0x0] =	vst.idx.add.f32.msk $0xffff, v25  }
0x126: {  	v61 =	vadd.s32 $0x2, v13;
	v44 =	vtrunc.f32 v40;
	v45 =	vmul.f32 v9, v24;
	[tilespmem:v36+s13+$0x0] =	vst.idx.add.f32.msk $0xffff, v11  }
0x127: {  	v30 =	vmul.f32 v60, v20;
	v33 =	vtrunc.f32 v38;
	v24 =	vadd.s32 $0xFFFFFFFF, v13;
	[tilespmem:v0+s13+$0x0] =	vst.idx.add.f32.msk $0xffff, v42  }
0x128: {  	v39 =	vadd.s32 $0x44, v13;
	v10 =	vmul.f32 v37, v18;
	v43 =	vcvt.f32.s32 v33;
	[tilespmem:v22+s13+$0x0] =	vst.idx.add.f32.msk $0xffff, v45  }
0x129: {  	v48 =	vadd.s32 $0x8A, v13;
	v54 =	vmul.f32 v9, v59;
	v33 =	vcvt.f32.s32 v44;
	v45 =	vld [tilespmem:s16+$0x30]  }
0x12a: {  	v28 =	vmul.f32 v9, v20;
	v9 =	vmul.f32 v9, v18;
	[tilespmem:v35+s13+$0x0] =	vst.idx.add.f32.msk $0xffff, v27;
	vm6 =	vgt.s32 v43, $0x2  }
0x12b: {  	v36 =	vadd.s32 $0x43, v13;
	[tilespmem:v21+s13+$0x0] =	vst.idx.add.f32.msk $0xffff, v46;
	v47 =	vnsel vm6, $0x2, v43;
	vm6 =	vgt.s32 v33, $0x2  }
0x12c: {  	v42 =	vadd.s32 $0x46, v13;
	v16 =	vmin.u32 v47, $0x41;
	v53 =	vnsel vm6, $0x2, v33;
	[tilespmem:v24+s13+$0x0] =	vst.idx.add.f32.msk $0xffff, v3  }
0x12d: {  	v46 =	vadd.s32 $0x89, v13;
	v29 =	vmin.u32 v53, $0x41;
	v55 =	vcvt.s32.f32 v16;
	[tilespmem:v13+s13+$0x0] =	vst.idx.add.f32.msk $0xffff, v49  }
0x12e: {  	v16 =	vmul.u32 $0x44, v16;
	v58 =	vcvt.s32.f32 v29;
	[tilespmem:v56+s13+$0x0] =	vst.idx.add.f32.msk $0xffff, v54;
	v57 =	vsub.f32 v45, v57  }
0x12f: {  	v43 =	vadd.s32 $0x87, v13;
	v33 =	vmul.f32 v20, v62;
	v14 =	vsub.f32 v38, v55;
	[tilespmem:v61+s13+$0x0] =	vst.idx.add.f32.msk $0xffff, v8  }
0x130: {  	v47 =	vld [tilespmem:s17+$0x30];
	v11 =	vadd.s32 v29, v16;
	v26 =	vsub.f32 v40, v58;
	v16 =	vmul.f32 v57, v51  }
0x131: {  	v20 =	vmul.f32 v20, v37;
	[tilespmem:v36+s13+$0x0] =	vst.idx.add.f32.msk $0xffff, v33;
	v59 =	vsub.f32 $1.000000000e+00, v14;
	v62 =	vmul.f32 v14, v14  }
0x132: {  	[tilespmem:v39+s13+$0x0] =	vst.idx.add.f32.msk $0xffff, v30;
	v60 =	vsub.f32 $1.000000000e+00, v26;
	v37 =	vmul.f32 v26, v26;
	v33 =	vtrunc.f32 v16  }
0x133: {  	v35 =	vadd.s32 $0xFFFFFFBE, v11;
	[tilespmem:v41+s13+$0x0] =	vst.idx.add.f32.msk $0xffff, v28;
	v63 =	vmul.f32 v59, v59;
	v14 =	vmul.f32 v62, v14  }
0x134: {  	v57 =	vadd.s32 $0x89, v11;
	[tilespmem:v42+s13+$0x0] =	vst.idx.add.f32.msk $0xffff, v20;
	v20 =	vcvt.f32.s32 v33;
	v38 =	vmul.f32 v60, v60  }
0x135: {  	v39 =	vadd.s32 $0x1, v11;
	v26 =	vmul.f32 v37, v26;
	v40 =	vmul.f32 v63, v59  }
0x136: {  	v22 =	vmul.f32 $5.000000000e-01, v14;
	v14 =	vmul.f32 $1.666666720e-01, v14;
	v59 =	vsub.f32 v47, v52  }
0x137: {  	vm6 =	vgt.s32 v20, $0x2;
	v12 =	vmul.f32 v38, v60;
	v21 =	vmul.f32 $5.000000000e-01, v26  }
0x138: {  	v56 =	vmul.f32 $1.666666720e-01, v26;
	v60 =	vadd.s32 $0xFFFFFFBB, v11;
	v20 =	vnsel vm6, $0x2, v20  }
0x139: {  	v31 =	vmul.f32 $5.000000000e-01, v40;
	v18 =	vsub.f32 v22, v62;
	v22 =	vadd.s32 $0x88, v13  }
0x13a: {  	v19 =	vmul.f32 $1.666666720e-01, v40;
	v62 =	vadd.s32 $0xFFFFFFBC, v11;
	v24 =	vmul.f32 v59, v50  }
0x13b: {  	v40 =	vadd.s32 $0x2, v11;
	v42 =	vmin.u32 v20, $0x41;
	v44 =	vmul.f32 $5.000000000e-01, v12  }
0x13c: {  	v21 =	vsub.f32 v21, v37;
	v53 =	vmul.f32 $1.666666720e-01, v12;
	v37 =	vadd.s32 $0xFFFFFFFF, v11  }
0x13d: {  	v20 =	vcvt.s32.f32 v42;
	v8 =	vmul.f32 v56, v14;
	v25 =	vsub.f32 v31, v63  }
0x13e: {  	v18 =	vadd.f32 $6.666666860e-01, v18;
	v63 =	vadd.s32 $0xFFFFFFBD, v11;
	v36 =	vtrunc.f32 v24  }
0x13f: {  	v32 =	vsub.f32 v44, v38;
	v54 =	vadd.f32 $6.666666860e-01, v21;
	v28 =	vcvt.f32.s32 v36  }
0x140: {  	[tilespmem:v43+s13+$0x0] =	vst.idx.add.f32.msk $0xffff, v2;
	v58 =	vmul.f32 v53, v19;
	v44 =	vadd.s32 $0x43, v11;
	v1 =	vmul.f32 v53, v14  }
0x141: {  	v41 =	vmul.f32 v18, v56;
	v55 =	vadd.f32 $6.666666860e-01, v32;
	[tilespmem:v22+s13+$0x0] =	vst.idx.add.f32.msk $0xffff, v7;
	vm6 =	vgt.s32 v28, $0x2  }
0x142: {  	v21 =	vmul.f32 v54, v19;
	v32 =	vmul.f32 v53, v18;
	[tilespmem:v60+s13+$0x0] =	vst.idx.add.f32.msk $0xffff, v58;
	v43 =	vnsel vm6, $0x2, v28  }
0x143: {  	v38 =	vmul.f32 v54, v18;
	[tilespmem:v46+s13+$0x0] =	vst.idx.add.f32.msk $0xffff, v9;
	v22 =	vmul.f32 v55, v18;
	v18 =	vmin.u32 v43, $0x41  }
0x144: {  	v16 =	vsub.f32 v16, v20;
	v61 =	vmul.f32 v55, v19;
	[tilespmem:v48+s13+$0x0] =	vst.idx.add.f32.msk $0xffff, v10;
	v46 =	vcvt.s32.f32 v18  }
0x145: {  	v49 =	vadd.f32 $6.666666860e-01, v25;
	v12 =	vmul.f32 v54, v14;
	v19 =	vmul.f32 v56, v19;
	[tilespmem:v62+s13+$0x0] =	vst.idx.add.f32.msk $0xffff, v21  }
0x146: {  	v20 =	vadd.s32 $0x45, v11;
	v58 =	vmul.f32 v16, v16;
	[tilespmem:v63+s13+$0x0] =	vst.idx.add.f32.msk $0xffff, v61;
	v24 =	vsub.f32 v24, v46  }
0x147: {  	v51 =	vsub.f32 $1.000000000e+00, v16;
	v45 =	vmul.f32 v49, v53;
	v47 =	vmul.f32 v54, v49;
	[tilespmem:v35+s13+$0x0] =	vst.idx.add.f32.msk $0xffff, v19  }
0x148: {  	v13 =	vmul.f32 v49, v56;
	v21 =	vadd.s32 $0x44, v11;
	[tilespmem:v37+s13+$0x0] =	vst.idx.add.f32.msk $0xffff, v32;
	v52 =	vsub.f32 $1.000000000e+00, v24  }
0x149: {  	v53 =	vadd.s32 $0x87, v11;
	v48 =	vmul.f32 v55, v49;
	[tilespmem:v11+s13+$0x0] =	vst.idx.add.f32.msk $0xffff, v38;
	v54 =	vmul.f32 v24, v24  }
0x14a: {  	v49 =	vadd.s32 $0x46, v11;
	v50 =	vmul.f32 v55, v14;
	[tilespmem:v39+s13+$0x0] =	vst.idx.add.f32.msk $0xffff, v22;
	v56 =	vmul.f32 v52, v52  }
0x14b: {  	v55 =	vadd.s32 $0x88, v11;
	v62 =	vmul.f32 v58, v16;
	[tilespmem:v40+s13+$0x0] =	vst.idx.add.f32.msk $0xffff, v41;
	v24 =	vmul.f32 v54, v24  }
0x14c: {  	v10 =	vmul.u32 $0x44, v42;
	v22 =	vmul.f32 v51, v51;
	[tilespmem:v44+s13+$0x0] =	vst.idx.add.f32.msk $0xffff, v45;
	v60 =	vmul.f32 v56, v52  }
0x14d: {  	v61 =	vadd.s32 $0x8A, v11;
	v28 =	vmul.f32 $5.000000000e-01, v62;
	[tilespmem:v21+s13+$0x0] =	vst.idx.add.f32.msk $0xffff, v47;
	v63 =	vmul.f32 $5.000000000e-01, v24  }
0x14e: {  	v10 =	vadd.s32 v18, v10;
	v59 =	vmul.f32 v22, v51;
	[tilespmem:v20+s13+$0x0] =	vst.idx.add.f32.msk $0xffff, v48;
	v27 =	vmul.f32 $5.000000000e-01, v60  }
0x14f: {  	v30 =	vadd.s32 $0xFFFFFFBB, v10;
	v33 =	vadd.s32 $0xFFFFFFBC, v10;
	[tilespmem:v49+s13+$0x0] =	vst.idx.add.f32.msk $0xffff, v13;
	v29 =	vsub.f32 v63, v54  }
0x150: {  	v25 =	vmul.f32 $1.666666720e-01, v59;
	v31 =	vmul.f32 $1.666666720e-01, v60;
	[tilespmem:v53+s13+$0x0] =	vst.idx.add.f32.msk $0xffff, v1;
	v32 =	vsub.f32 v27, v56  }
0x151: {  	v35 =	vadd.s32 $0xFFFFFFBD, v10;
	v5 =	vsub.f32 v28, v58;
	[tilespmem:v55+s13+$0x0] =	vst.idx.add.f32.msk $0xffff, v12;
	v34 =	vadd.f32 $6.666666860e-01, v29  }
0x152: {  	v38 =	vadd.s32 $0xFFFFFFBE, v10;
	v37 =	vmul.f32 v31, v25;
	[tilespmem:v57+s13+$0x0] =	vst.idx.add.f32.msk $0xffff, v50;
	v36 =	vadd.f32 $6.666666860e-01, v32  }
0x153: {  	v41 =	vadd.s32 $0xFFFFFFFF, v10;
	v39 =	vmul.f32 $1.666666720e-01, v24;
	[tilespmem:v61+s13+$0x0] =	vst.idx.add.f32.msk $0xffff, v8;
	v40 =	vmul.f32 v34, v25  }
0x154: {  	v42 =	vadd.f32 $6.666666860e-01, v5;
	v4 =	vmul.f32 $5.000000000e-01, v59;
	[tilespmem:v30+s13+$0x0] =	vst.idx.add.f32.msk $0xffff, v37;
	v43 =	vmul.f32 v36, v25  }
0x155: {  	v45 =	vadd.s32 $0x1, v10;
	v44 =	vmul.f32 v39, v25;
	[tilespmem:v33+s13+$0x0] =	vst.idx.add.f32.msk $0xffff, v40  }
0x156: {  	v47 =	vadd.s32 $0x2, v10;
	v4 =	vsub.f32 v4, v22;
	v46 =	vmul.f32 v31, v42;
	[tilespmem:v35+s13+$0x0] =	vst.idx.add.f32.msk $0xffff, v43  }
0x157: {  	v49 =	vadd.s32 $0x43, v10;
	v48 =	vmul.f32 v34, v42;
	[tilespmem:v38+s13+$0x0] =	vst.idx.add.f32.msk $0xffff, v44  }
0x158: {  	v51 =	vadd.s32 $0x44, v10;
	v4 =	vadd.f32 $6.666666860e-01, v4;
	v50 =	vmul.f32 v36, v42;
	[tilespmem:v41+s13+$0x0] =	vst.idx.add.f32.msk $0xffff, v46  }
0x159: {  	v52 =	vadd.s32 $0x45, v10;
	v3 =	vmul.f32 v42, v39;
	[tilespmem:v10+s13+$0x0] =	vst.idx.add.f32.msk $0xffff, v48  }
0x15a: {  	v54 =	vadd.s32 $0x46, v10;
	v53 =	vmul.f32 v4, v31;
	[tilespmem:v45+s13+$0x0] =	vst.idx.add.f32.msk $0xffff, v50  }
0x15b: {  	v56 =	vadd.s32 $0x87, v10;
	v55 =	vmul.f32 v34, v4;
	[tilespmem:v47+s13+$0x0] =	vst.idx.add.f32.msk $0xffff, v3  }
0x15c: {  	v58 =	vadd.s32 $0x88, v10;
	v11 =	vmul.f32 $1.666666720e-01, v62;
	v57 =	vmul.f32 v36, v4;
	[tilespmem:v49+s13+$0x0] =	vst.idx.add.f32.msk $0xffff, v53  }
0x15d: {  	s15 =	sadd.s32 $0x8, s15;
	v60 =	vadd.s32 $0x89, v10;
	v59 =	vmul.f32 v4, v39;
	[tilespmem:v51+s13+$0x0] =	vst.idx.add.f32.msk $0xffff, v55  }
0x15e: {  	p0 =	slt.u32 s15, $0x2F8;
	v1 =	vmul.f32 v31, v11;
	v61 =	vadd.s32 $0x8A, v10;
	[tilespmem:v52+s13+$0x0] =	vst.idx.add.f32.msk $0xffff, v57  }
.Ltmp2:
0x15f: {  	v62 =	vmul.f32 v34, v11;
	[tilespmem:v54+s13+$0x0] =	vst.idx.add.f32.msk $0xffff, v59;
	(pc) =	sbr.rel @p0 .LBB2_6-.Ltmp2, $4  }
0x160: {  	v63 =	vmul.f32 v36, v11;
	[tilespmem:v56+s13+$0x0] =	vst.idx.add.f32.msk $0xffff, v1  }
0x161: {  	v0 =	vmul.f32 v39, v11;
	[tilespmem:v58+s13+$0x0] =	vst.idx.add.f32.msk $0xffff, v62  }
0x162: {  	[tilespmem:v60+s13+$0x0] =	vst.idx.add.f32.msk $0xffff, v63  }
0x163: {  	s16 =	sadd.s32 $0x80, s16;
	s17 =	sadd.s32 $0x80, s17;
	[tilespmem:v61+s13+$0x0] =	vst.idx.add.f32.msk $0xffff, v0  }
0x164: {  	s14 =	sadd.s32 $0x1, s14  }
0x165: {  	p0 =	sne.s32 s14, s7  }
.Ltmp3:
0x166: {  	_ = 	snop;
	(pc) =	sbr.rel @p0 .LBB2_1-.Ltmp3, $4  }
0x167: {  	[hbm4b:s8+s2] =	stream.linear.scatter [tilespmem:s13], [sflag:$0x1], $0x1280, $0x38;
	[tilespmem:$0x7B20] =	vst v63  }
0x168: {  	_ =	swait.ge [sflag:s9], $0x1280  }
0x169: {  	[sflag:s9] =	ssyncset.done $0x0  }
0x16a: {  	[sflag:s9] =	ssyncadd.s32 $0xFFFFED80  }
0x16b: {  	_ =	sfence.sel $0x180000  }
0x16c: {  	[bflag:$0x0] =	sbarrier.arrive $0xFFFF  }
0x16d: {  	p0 =	sne.s32 s1, $0x0;
	_ =	strace $0x90000047  }
0x16e: {  	s0 =	sadd.s32 @!p0 $0x100000, s0;
	[bflag:$0x2] =	sbarrier.arrive $0xFFFF  }
0x16f: {  	[sflag:s0] =	ssyncadd.tile.s32 @!p0 $0x1;
	_ =	shalt  }
.Lfunc_end2:
_tile_overlayer_lowered:
.L_overlay_start_2:
0x170: {  	(tag) =	ssettag $0x2  }
0x171: {  	s0 =	rddreg [dreg:$0x0];
	s2 =	stileid.u32  }
0x172: {  	s1 =	rddreg [dreg:$0x1];
	p0 =	sne.s32 s2, $0x0  }
0x173: {  	s3 =	rddreg [dreg:$0x2];
	[bflag:$0x3] =	sbarrier.arrive $0xFFFF;
	s2 =	simm.s32 @!p0 $0x1C01  }
0x174: {  	[timem:s3], [sflag:s2] =	dma.local @!p0 [hbm:s0], s1  }
0x175: {  	s0 =	simm.s32 @!p0 $0x1  }
0x176: {  	_ =	swait.ge @!p0 [sflag:s0], s1  }
0x177: {  	s1 =	ssub.s32 @!p0 $0x0, s1;
	[sflag:s0] =	ssyncset.done @!p0 $0x0  }
0x178: {  	[sflag:s0] =	ssyncadd.s32 @!p0 s1  }
0x179: {  	[bflag:$0x3] =	sbarrier.arrive $0xFFFF  }
0x17a: {  	_ =	shalt  }

</sc_bundles>
